<compile_context>
chip_gen: v7x
topology: tpu7x:2x2x1
jax: 0.10.2.dev20260603
libtpu: 0.0.44.dev20260713+nightly
codegen_flags: <defaults>
</compile_context>

<pallas_src>
import functools

import jax
import jax.numpy as jnp
from jax import lax
from jax.experimental import pallas as pl
from jax.experimental.pallas import tpu as pltpu
from jax.experimental.pallas import tpu_sc as plsc

_VOCAB = 100000
_EMB = 64
_TREE = 64
_OUT = 3
_B = 4096
_NPT = 73
_RS = _B * _NPT

_NC = 2
_NS = 16
_NW = _NC * _NS
_RPW = _RS // _NW
_GROW = 128
_GPW = _RPW // _GROW
_FIRE = 3
_MAIN = (_GPW - 1) // _FIRE

_LEAF = _B * 64
_INT = _B * 8
_OFF_INT = _LEAF
_OFF_ROOT = _LEAF + _INT

_TBLK = 128
_GRID = _B // _TBLK


def _sc_gather_body(table_hbm, idx_hbm, out_hbm, idx_v, rows_v, sem):
    wid = lax.axis_index("s") * _NC + lax.axis_index("c")
    pltpu.sync_copy(idx_hbm.at[wid], idx_v)
    out_base = wid * _RPW

    def step(t, carry):
        copies = [
            pltpu.async_copy(
                table_hbm.at[idx_v.at[t * _FIRE + j]],
                rows_v.at[pl.ds(j * _GROW, _GROW)],
                sem,
            )
            for j in range(_FIRE)
        ]
        for cp in copies:
            cp.wait()
        pltpu.sync_copy(
            rows_v,
            out_hbm.at[pl.ds(out_base + t * (_FIRE * _GROW), _FIRE * _GROW)],
        )
        return carry

    lax.fori_loop(0, _MAIN, step, 0)
    t = _MAIN * _FIRE
    pltpu.async_copy(
        table_hbm.at[idx_v.at[t]], rows_v.at[pl.ds(0, _GROW)], sem
    ).wait()
    pltpu.sync_copy(
        rows_v.at[pl.ds(0, _GROW)],
        out_hbm.at[pl.ds(out_base + t * _GROW, _GROW)],
    )


@functools.lru_cache(maxsize=1)
def _sc_gather():
    return pl.kernel(
        _sc_gather_body,
        out_type=jax.ShapeDtypeStruct((_RS, _EMB), jnp.float32),
        mesh=plsc.VectorSubcoreMesh(core_axis_name="c", subcore_axis_name="s"),
        scratch_types=[
            pltpu.VMEM((_GPW, _GROW), jnp.int32),
            pltpu.VMEM((_FIRE * _GROW, _EMB), jnp.float32),
            pltpu.SemaphoreType.DMA,
        ],
        compiler_params=pltpu.CompilerParams(use_tc_tiling_on_sc=False),
    )


_P64 = [(p % 8) * 8 + p // 8 for p in range(64)]


def _sigmoid(x):
    return 0.5 * jnp.tanh(0.5 * x) + 0.5


def _gates(iou2):
    io2 = 0.5 * jnp.tanh(iou2[:, :4 * _TREE]) + 0.5
    u2 = jnp.tanh(iou2[:, 4 * _TREE:])
    return io2[:, :2 * _TREE], io2[:, 2 * _TREE:], u2


def _level(x2, c2_prev, h2_prev, M_iou, b2_iou, Mu_iou, M_f, b2_f, Mu_f):
    m2 = x2.shape[0]
    hs2 = h2_prev[:m2]
    for j in range(1, 8):
        hs2 = hs2 + h2_prev[j * m2:(j + 1) * m2]
    iou2 = x2 @ M_iou + b2_iou + hs2 @ Mu_iou
    i2, o2, u2 = _gates(iou2)
    pf2 = x2 @ M_f + b2_f
    y2 = h2_prev @ Mu_f
    c_sum = (0.5 * jnp.tanh(pf2 + y2[:m2]) + 0.5) * c2_prev[:m2]
    for j in range(1, 8):
        sl = slice(j * m2, (j + 1) * m2)
        c_sum = c_sum + (0.5 * jnp.tanh(pf2 + y2[sl]) + 0.5) * c2_prev[sl]
    c2 = i2 * u2 + c_sum
    h2 = o2 * jnp.tanh(c2)
    return c2, h2


def _tree_root_h(leaf2, int2, root2, M_iou, b2_iou, Mu_iou, M_f, b2_f, Mu_f):
    iou2 = leaf2 @ M_iou + b2_iou
    i2, o2, u2 = _gates(iou2)
    c2 = i2 * u2
    h2 = o2 * jnp.tanh(c2)

    c2, h2 = _level(int2, c2, h2, M_iou, b2_iou, Mu_iou, M_f, b2_f, Mu_f)
    _, h2 = _level(root2, c2, h2, M_iou, b2_iou, Mu_iou, M_f, b2_f, Mu_f)
    return h2


def _tc_tree_body(l2, i2, r2, M_iou, b2_iou, Mu_iou, M_f, b2_f, Mu_f, out_ref):
    out_ref[...] = _tree_root_h(
        l2[...], i2[...], r2[...],
        M_iou[...], b2_iou[...], Mu_iou[...], M_f[...], b2_f[...], Mu_f[...])


def _fuse_body(hc, ha, hb, F1, f1b, F2, f2b, out_ref):
    hc2, ha2, hb2 = hc[...], ha[...], hb[...]
    p = hc2 * ha2
    s0 = jnp.sum(p[:, :_TREE], axis=1, keepdims=True)
    s1 = jnp.sum(p[:, _TREE:], axis=1, keepdims=True)
    hh2 = jnp.concatenate([s0 * hb2[:, :_TREE], s1 * hb2[:, _TREE:]], axis=1)
    y2 = jax.nn.relu(hh2 @ F1[...] + f1b[...])
    out_ref[...] = jax.nn.relu(y2 @ F2[...] + f2b[...])


def _full_spec(shape):
    return pl.BlockSpec(shape, lambda i: (0,) * len(shape))


def _tc_tree_specs():
    lblk, iblk, rblk = _TBLK * 32, _TBLK * 4, _TBLK // 2
    in_specs = [
        pl.BlockSpec((lblk, 2 * _EMB), lambda i: (i, 0)),
        pl.BlockSpec((iblk, 2 * _EMB), functools.partial(
            lambda i, o: (o + i, 0), o=_OFF_INT // 2 // iblk)),
        pl.BlockSpec((rblk, 2 * _EMB), functools.partial(
            lambda i, o: (o + i, 0), o=_OFF_ROOT // 2 // rblk)),
        _full_spec((2 * _EMB, 6 * _TREE)),
        _full_spec((1, 6 * _TREE)),
        _full_spec((2 * _TREE, 6 * _TREE)),
        _full_spec((2 * _EMB, 2 * _TREE)),
        _full_spec((1, 2 * _TREE)),
        _full_spec((2 * _TREE, 2 * _TREE)),
    ]
    out_spec = pl.BlockSpec((_TBLK // 2, 2 * _TREE), lambda i: (i, 0))
    return in_specs, out_spec


def _pair_block(W):
    z = jnp.zeros_like(W)
    return jnp.concatenate([
        jnp.concatenate([W, z], axis=1),
        jnp.concatenate([z, W], axis=1),
    ], axis=0)


def _paired_weights(W_iou, b_iou, U_iou, W_f, b_f, U_f):
    s = jnp.array([0.5, 0.5, 1.0])
    M_iou = jnp.concatenate(
        [s[g] * _pair_block(W_iou[:, g * _TREE:(g + 1) * _TREE])
         for g in range(3)], axis=1)
    Mu_iou = jnp.concatenate(
        [s[g] * _pair_block(U_iou[:, g * _TREE:(g + 1) * _TREE])
         for g in range(3)], axis=1)
    b2_iou = jnp.concatenate(
        [s[g] * jnp.tile(b_iou[g * _TREE:(g + 1) * _TREE], 2)
         for g in range(3)])
    M_f = 0.5 * _pair_block(W_f)
    Mu_f = 0.5 * _pair_block(U_f)
    b2_f = 0.5 * jnp.tile(b_f, 2)
    return M_iou, b2_iou.reshape(1, -1), Mu_iou, M_f, b2_f.reshape(1, -1), Mu_f


def _tc_tree(G2, pw):
    in_specs, out_spec = _tc_tree_specs()
    return pl.pallas_call(
        _tc_tree_body,
        grid=(_GRID,),
        in_specs=in_specs,
        out_specs=out_spec,
        out_shape=jax.ShapeDtypeStruct((_B // 2, 2 * _TREE), jnp.float32),
        compiler_params=pltpu.CompilerParams(
            dimension_semantics=("parallel",)),
    )(G2, G2, G2, *pw)


_FUSE_GRID = 4
_FBLK = _B // 2 // _FUSE_GRID


def _tc_fuse(h_c, h_a, h_b, fc1_W, fc1_b, fc2_W, fc2_b):
    F1 = _pair_block(fc1_W)
    f1b = jnp.tile(fc1_b, 2).reshape(1, -1)
    F2 = _pair_block(fc2_W)
    f2b = jnp.tile(fc2_b, 2).reshape(1, -1)
    h_spec = pl.BlockSpec((_FBLK, 2 * _TREE), lambda i: (i, 0))
    in_specs = [
        h_spec, h_spec, h_spec,
        _full_spec((2 * _TREE, _TREE)),
        _full_spec((1, _TREE)),
        _full_spec((_TREE, 2 * _OUT)),
        _full_spec((1, 2 * _OUT)),
    ]
    out_spec = pl.BlockSpec((_FBLK, 2 * _OUT), lambda i: (i, 0))
    out2 = pl.pallas_call(
        _fuse_body,
        grid=(_FUSE_GRID,),
        in_specs=in_specs,
        out_specs=out_spec,
        out_shape=jax.ShapeDtypeStruct((_B // 2, 2 * _OUT), jnp.float32),
        compiler_params=pltpu.CompilerParams(
            dimension_semantics=("parallel",)),
    )(h_c, h_a, h_b, F1, f1b, F2, f2b)
    return out2.reshape(_B, _OUT)


def _build_idx(ids):
    r = ids.astype(jnp.int32).reshape(_GRID, _TBLK, _NPT)
    leaf = r[:, :, :64].transpose(0, 2, 1)[:, _P64, :]
    intn = r[:, :, 64:72].transpose(0, 2, 1)
    root = r[:, :, 72]
    idx = jnp.concatenate(
        [leaf.reshape(-1), intn.reshape(-1), root.reshape(-1)])
    return idx.reshape(_NW, _GPW, _GROW)


def kernel(cube_features, lit_a_features, lit_b_features, node_order,
           adjacency_list, edge_order, tree_sizes, emb, W_iou, b_iou, U_iou,
           W_f, b_f, U_f, fc1_W, fc1_b, fc2_W, fc2_b):
    pw = _paired_weights(W_iou, b_iou, U_iou, W_f, b_f, U_f)
    gather = _sc_gather()
    hs = []
    for ids in (cube_features, lit_a_features, lit_b_features):
        G = gather(emb, _build_idx(ids))
        hs.append(_tc_tree(G.reshape(_RS // 2, 2 * _EMB), pw))
    return _tc_fuse(*hs, fc1_W, fc1_b, fc2_W, fc2_b)

# --- scband reference (transcript-rebuilt; emitter-appended) ---
"""Pipeline reference for scband-model-33466385170973 (READ-ONLY COPY).

The authoritative reference and input builder live on the scoring server;
editing this copy changes nothing except your own understanding.
"""

import jax, jax.numpy as jnp
import numpy as np

VOCAB = 100000
EMB = 64
TREE = 64
OUT = 3
B = 4096
F_INT = 8
L = 8
LEAVES = F_INT * L
NPT = LEAVES + F_INT + 1
EPT = LEAVES + F_INT
N = B * NPT
E = B * EPT


def _build_structure():
    no = np.zeros(NPT, dtype=np.int64)
    no[LEAVES:LEAVES + F_INT] = 1
    no[NPT - 1] = 2
    node_order = np.tile(no, B)
    parents, children, eo = [], [], []
    for i in range(F_INT):
        for j in range(L):
            parents.append(LEAVES + i)
            children.append(i * L + j)
            eo.append(1)
    for i in range(F_INT):
        parents.append(NPT - 1)
        children.append(LEAVES + i)
        eo.append(2)
    parents = np.array(parents, dtype=np.int64)
    children = np.array(children, dtype=np.int64)
    eo = np.array(eo, dtype=np.int64)
    offs = (np.arange(B, dtype=np.int64) * NPT)[:, None]
    p = (parents[None, :] + offs).ravel()
    ch = (children[None, :] + offs).ravel()
    adjacency_list = np.stack([p, ch], axis=1)
    edge_order = np.tile(eo, B)
    tree_sizes = np.full((B,), NPT, dtype=np.int64)
    return node_order, adjacency_list, edge_order, tree_sizes


def setup_inputs(seed: int = 0):
    key = jax.random.key(seed)
    ks = jax.random.split(key, 16)
    node_order, adjacency_list, edge_order, tree_sizes = _build_structure()
    return {
        "cube_features": jax.random.randint(ks[0], (N,), 0, VOCAB, dtype=jnp.int32),
        "lit_a_features": jax.random.randint(ks[1], (N,), 0, VOCAB, dtype=jnp.int32),
        "lit_b_features": jax.random.randint(ks[2], (N,), 0, VOCAB, dtype=jnp.int32),
        "node_order": node_order,
        "adjacency_list": adjacency_list,
        "edge_order": edge_order,
        "tree_sizes": tree_sizes,
        "emb": jax.random.normal(ks[3], (VOCAB, EMB), dtype=jnp.float32) * 0.02,
        "W_iou": jax.random.normal(ks[4], (EMB, 3 * TREE), dtype=jnp.float32) * 0.05,
        "b_iou": jnp.zeros((3 * TREE,), dtype=jnp.float32),
        "U_iou": jax.random.normal(ks[5], (TREE, 3 * TREE), dtype=jnp.float32) * 0.05,
        "W_f": jax.random.normal(ks[6], (EMB, TREE), dtype=jnp.float32) * 0.05,
        "b_f": jnp.zeros((TREE,), dtype=jnp.float32),
        "U_f": jax.random.normal(ks[7], (TREE, TREE), dtype=jnp.float32) * 0.05,
        "fc1_W": jax.random.normal(ks[8], (TREE, TREE // 2), dtype=jnp.float32) * 0.1,
        "fc1_b": jnp.zeros((TREE // 2,), dtype=jnp.float32),
        "fc2_W": jax.random.normal(ks[9], (TREE // 2, OUT), dtype=jnp.float32) * 0.1,
        "fc2_b": jnp.zeros((OUT,), dtype=jnp.float32),
    }


def _tree_lstm(feat_emb, node_order, adjacency_list, edge_order, W_iou, b_iou, U_iou, W_f, b_f, U_f):
    node_order = jnp.asarray(node_order)
    adjacency_list = jnp.asarray(adjacency_list)
    edge_order = jnp.asarray(edge_order)
    n = node_order.shape[0]
    b = n // NPT
    node_counts = [b * LEAVES, b * F_INT, b]
    edge_counts = [0, b * LEAVES, b * F_INT]
    h = jnp.zeros((n, TREE), dtype=feat_emb.dtype)
    c = jnp.zeros((n, TREE), dtype=feat_emb.dtype)
    for it in range(len(node_counts)):
        node_idx = jnp.nonzero(node_order == it, size=node_counts[it])[0]
        x = feat_emb[node_idx]
        if it == 0:
            iou = x @ W_iou + b_iou
        else:
            em = jnp.nonzero(edge_order == it, size=edge_counts[it])[0]
            adj = adjacency_list[em]
            pi = adj[:, 0]
            ci = adj[:, 1]
            child_h = h[ci]
            child_c = c[ci]
            change = jnp.concatenate([jnp.zeros(1, dtype=pi.dtype), (pi[1:] != pi[:-1]).astype(pi.dtype)])
            seg = jnp.cumsum(change)
            nseg = node_counts[it]
            h_sum = jax.ops.segment_sum(child_h, seg, num_segments=nseg)
            iou = x @ W_iou + b_iou + h_sum @ U_iou
        i_, o_, u_ = jnp.split(iou, 3, axis=1)
        i_ = jax.nn.sigmoid(i_)
        o_ = jax.nn.sigmoid(o_)
        u_ = jnp.tanh(u_)
        if it == 0:
            c_new = i_ * u_
        else:
            f = jax.nn.sigmoid(feat_emb[pi] @ W_f + b_f + child_h @ U_f)
            fc = f * child_c
            c_sum = jax.ops.segment_sum(fc, seg, num_segments=nseg)
            c_new = i_ * u_ + c_sum
        h_new = o_ * jnp.tanh(c_new)
        c = c.at[node_idx].set(c_new)
        h = h.at[node_idx].set(h_new)
    return h, c


def _stack_last_h(h, tree_sizes):
    ends = jnp.cumsum(jnp.asarray(tree_sizes)) - 1
    return h[ends]


def reference(cube_features, lit_a_features, lit_b_features, node_order, adjacency_list, edge_order, tree_sizes, emb, W_iou, b_iou, U_iou, W_f, b_f, U_f, fc1_W, fc1_b, fc2_W, fc2_b):
    def run_tree(ids):
        fe = jnp.take(emb, ids, axis=0)
        h, c = _tree_lstm(fe, node_order, adjacency_list, edge_order, W_iou, b_iou, U_iou, W_f, b_f, U_f)
        return h
    h_c = _stack_last_h(run_tree(cube_features), tree_sizes)
    h_a = _stack_last_h(run_tree(lit_a_features), tree_sizes)
    h_b = _stack_last_h(run_tree(lit_b_features), tree_sizes)
    bs = h_a.shape[0]
    fuse = jnp.matmul(h_a.reshape(bs, -1, 1), h_b.reshape(bs, 1, -1))
    hh = jnp.matmul(h_c.reshape(bs, 1, -1), fuse)
    logits = jax.nn.relu(jax.nn.relu(hh @ fc1_W + fc1_b) @ fc2_W + fc2_b)
    return logits.reshape(bs, -1)

if __name__ == "__main__":
    import jax
    _d = setup_inputs()
    print(jax.jit(kernel)(*tuple(_d.values())))

</pallas_src>

<mosaic_0001>
#map = affine_map<(d0, d1) -> (0, 0)>
#map1 = affine_map<(d0, d1) -> (0, 0, 0)>
module attributes {stable_mosaic.version = 14 : i64} {
  func.func @_sc_gather_body(%arg0: i32, %arg1: i32, %arg2: memref<100000x64xf32, #tpu.memory_space<hbm>>, %arg3: memref<32x73x128xi32, #tpu.memory_space<hbm>>, %arg4: memref<299008x64xf32, #tpu.memory_space<hbm>>, %arg5: memref<73x128xi32, #tpu.memory_space<vmem>>, %arg6: memref<384x64xf32, #tpu.memory_space<vmem>>, %arg7: memref<!tpu.dma_semaphore, #tpu.memory_space<semaphore_mem>>) attributes {dimension_semantics = [#tpu.dimension_semantics<core_parallel>, #tpu.dimension_semantics<subcore_parallel>], iteration_bounds = array<i64: 2, 16>, scalar_prefetch = 0 : i64, scratch_operands = 3 : i64, tpu.core_type = #tpu.core_type<sc_vector_subcore>, window_params = [{transform_indices = #map}, {transform_indices = #map1}, {transform_indices = #map}]} {
    %mul3A = arith.constant 2 : i32
    %mul3A_0 = arith.muli %arg1, %mul3A : i32
    %add3A = arith.addi %mul3A_0, %arg0 : i32
    "tpu.region"() ({
      %run_scoped3A = tpu.sem_alloc : memref<!tpu.dma_semaphore, #tpu.memory_space<semaphore_mem>>
      %dma_start3A_28 = arith.constant 0 : i32
      %dma_start3A_29 = arith.constant 0 : i32
      %dma_start3A_30 = tpu.memref_slice %arg3[%add3A, %dma_start3A_28, %dma_start3A_29] : memref<32x73x128xi32, #tpu.memory_space<hbm>> -> memref<1x73x128xi32, #tpu.memory_space<hbm>>
      %dma_start3A_31 = tpu.memref_squeeze %dma_start3A_30 : memref<1x73x128xi32, #tpu.memory_space<hbm>> -> memref<73x128xi32, #tpu.memory_space<hbm>>
      %dma_start3A_32 = arith.constant 0 : i32
      %dma_start3A_33 = arith.constant 0 : i32
      %dma_start3A_34 = tpu.memref_slice %arg3[%add3A, %dma_start3A_32, %dma_start3A_33] : memref<32x73x128xi32, #tpu.memory_space<hbm>> -> memref<1x73x128xi32, #tpu.memory_space<hbm>>
      %dma_start3A_35 = tpu.memref_squeeze %dma_start3A_34 : memref<1x73x128xi32, #tpu.memory_space<hbm>> -> memref<73x128xi32, #tpu.memory_space<hbm>>
      tpu.enqueue_dma source(%dma_start3A_35 : memref<73x128xi32, #tpu.memory_space<hbm>>) target(%arg5 : memref<73x128xi32, #tpu.memory_space<vmem>>) target_semaphore(%run_scoped3A : memref<!tpu.dma_semaphore, #tpu.memory_space<semaphore_mem>>)
      %dma_wait3A_36 = arith.constant 0 : i32
      %dma_wait3A_37 = arith.constant 0 : i32
      %dma_wait3A_38 = tpu.memref_slice %arg3[%add3A, %dma_wait3A_36, %dma_wait3A_37] : memref<32x73x128xi32, #tpu.memory_space<hbm>> -> memref<1x73x128xi32, #tpu.memory_space<hbm>>
      %dma_wait3A_39 = tpu.memref_squeeze %dma_wait3A_38 : memref<1x73x128xi32, #tpu.memory_space<hbm>> -> memref<73x128xi32, #tpu.memory_space<hbm>>
      %dma_wait3A_40 = arith.constant 0 : i32
      %dma_wait3A_41 = arith.constant 0 : i32
      %dma_wait3A_42 = tpu.memref_slice %arg3[%add3A, %dma_wait3A_40, %dma_wait3A_41] : memref<32x73x128xi32, #tpu.memory_space<hbm>> -> memref<1x73x128xi32, #tpu.memory_space<hbm>>
      %dma_wait3A_43 = tpu.memref_squeeze %dma_wait3A_42 : memref<1x73x128xi32, #tpu.memory_space<hbm>> -> memref<73x128xi32, #tpu.memory_space<hbm>>
      tpu.wait_dma2 semaphore(%run_scoped3A : memref<!tpu.dma_semaphore, #tpu.memory_space<semaphore_mem>>) src(%dma_wait3A_43 : memref<73x128xi32, #tpu.memory_space<hbm>>) dst(%arg5 : memref<73x128xi32, #tpu.memory_space<vmem>>)
      tpu.yield
    }) : () -> ()
    %mul3A_1 = arith.constant 9344 : i32
    %mul3A_2 = arith.muli %add3A, %mul3A_1 : i32
    %scan3A = arith.constant 0 : i32
    %scan3A_3 = arith.constant 0 : i32
    %scan3A_4 = arith.constant 24 : i32
    %scan3A_5 = arith.addi %scan3A_3, %scan3A_4 : i32
    %scan3A_6 = arith.constant 1 : i32
    scf.for %scan3A_28 = %scan3A_3 to %scan3A_5 step %scan3A_6  : i32 {
      %mul3A_29 = arith.constant 3 : i32
      %mul3A_30 = arith.muli %scan3A_28, %mul3A_29 : i32
      %add3A_31 = arith.constant 0 : i32
      %add3A_32 = arith.addi %mul3A_30, %add3A_31 : i32
      %dma_start3A_33 = arith.constant 0 : i32
      %dma_start3A_34 = arith.constant 0 : i32
      %dma_start3A_35 = tpu.memref_slice %arg6[%dma_start3A_33, %dma_start3A_34] : memref<384x64xf32, #tpu.memory_space<vmem>> -> memref<128x64xf32, #tpu.memory_space<vmem>>
      %dma_start3A_36 = arith.constant 0 : i32
      %dma_start3A_37 = tpu.memref_slice %arg5[%add3A_32, %dma_start3A_36] : memref<73x128xi32, #tpu.memory_space<vmem>> -> memref<1x128xi32, #tpu.memory_space<vmem>>
      %dma_start3A_38 = tpu.memref_squeeze %dma_start3A_37 : memref<1x128xi32, #tpu.memory_space<vmem>> -> memref<128xi32, #tpu.memory_space<vmem>>
      %dma_start3A_39 = arith.constant 0 : i32
      %dma_start3A_40 = arith.constant 0 : i32
      %dma_start3A_41 = tpu.memref_slice %arg2[%dma_start3A_39, %dma_start3A_40] : memref<100000x64xf32, #tpu.memory_space<hbm>> -> memref<100000x64xf32, #tpu.memory_space<hbm>>
      tpu.enqueue_indirect_dma source(%dma_start3A_41 : memref<100000x64xf32, #tpu.memory_space<hbm>>) target(%dma_start3A_35 : memref<128x64xf32, #tpu.memory_space<vmem>>) offsets(%dma_start3A_38 : memref<128xi32, #tpu.memory_space<vmem>>) semaphore(%arg7 : memref<!tpu.dma_semaphore, #tpu.memory_space<semaphore_mem>>)
      %mul3A_42 = arith.constant 3 : i32
      %mul3A_43 = arith.muli %scan3A_28, %mul3A_42 : i32
      %add3A_44 = arith.constant 1 : i32
      %add3A_45 = arith.addi %mul3A_43, %add3A_44 : i32
      %dma_start3A_46 = arith.constant 128 : i32
      %dma_start3A_47 = arith.constant 0 : i32
      %dma_start3A_48 = tpu.memref_slice %arg6[%dma_start3A_46, %dma_start3A_47] : memref<384x64xf32, #tpu.memory_space<vmem>> -> memref<128x64xf32, #tpu.memory_space<vmem>>
      %dma_start3A_49 = arith.constant 0 : i32
      %dma_start3A_50 = tpu.memref_slice %arg5[%add3A_45, %dma_start3A_49] : memref<73x128xi32, #tpu.memory_space<vmem>> -> memref<1x128xi32, #tpu.memory_space<vmem>>
      %dma_start3A_51 = tpu.memref_squeeze %dma_start3A_50 : memref<1x128xi32, #tpu.memory_space<vmem>> -> memref<128xi32, #tpu.memory_space<vmem>>
      %dma_start3A_52 = arith.constant 0 : i32
      %dma_start3A_53 = arith.constant 0 : i32
      %dma_start3A_54 = tpu.memref_slice %arg2[%dma_start3A_52, %dma_start3A_53] : memref<100000x64xf32, #tpu.memory_space<hbm>> -> memref<100000x64xf32, #tpu.memory_space<hbm>>
      tpu.enqueue_indirect_dma source(%dma_start3A_54 : memref<100000x64xf32, #tpu.memory_space<hbm>>) target(%dma_start3A_48 : memref<128x64xf32, #tpu.memory_space<vmem>>) offsets(%dma_start3A_51 : memref<128xi32, #tpu.memory_space<vmem>>) semaphore(%arg7 : memref<!tpu.dma_semaphore, #tpu.memory_space<semaphore_mem>>)
      %mul3A_55 = arith.constant 3 : i32
      %mul3A_56 = arith.muli %scan3A_28, %mul3A_55 : i32
      %add3A_57 = arith.constant 2 : i32
      %add3A_58 = arith.addi %mul3A_56, %add3A_57 : i32
      %dma_start3A_59 = arith.constant 256 : i32
      %dma_start3A_60 = arith.constant 0 : i32
      %dma_start3A_61 = tpu.memref_slice %arg6[%dma_start3A_59, %dma_start3A_60] : memref<384x64xf32, #tpu.memory_space<vmem>> -> memref<128x64xf32, #tpu.memory_space<vmem>>
      %dma_start3A_62 = arith.constant 0 : i32
      %dma_start3A_63 = tpu.memref_slice %arg5[%add3A_58, %dma_start3A_62] : memref<73x128xi32, #tpu.memory_space<vmem>> -> memref<1x128xi32, #tpu.memory_space<vmem>>
      %dma_start3A_64 = tpu.memref_squeeze %dma_start3A_63 : memref<1x128xi32, #tpu.memory_space<vmem>> -> memref<128xi32, #tpu.memory_space<vmem>>
      %dma_start3A_65 = arith.constant 0 : i32
      %dma_start3A_66 = arith.constant 0 : i32
      %dma_start3A_67 = tpu.memref_slice %arg2[%dma_start3A_65, %dma_start3A_66] : memref<100000x64xf32, #tpu.memory_space<hbm>> -> memref<100000x64xf32, #tpu.memory_space<hbm>>
      tpu.enqueue_indirect_dma source(%dma_start3A_67 : memref<100000x64xf32, #tpu.memory_space<hbm>>) target(%dma_start3A_61 : memref<128x64xf32, #tpu.memory_space<vmem>>) offsets(%dma_start3A_64 : memref<128xi32, #tpu.memory_space<vmem>>) semaphore(%arg7 : memref<!tpu.dma_semaphore, #tpu.memory_space<semaphore_mem>>)
      %dma_wait3A_68 = arith.constant 0 : i32
      %dma_wait3A_69 = arith.constant 0 : i32
      %dma_wait3A_70 = tpu.memref_slice %arg6[%dma_wait3A_68, %dma_wait3A_69] : memref<384x64xf32, #tpu.memory_space<vmem>> -> memref<128x64xf32, #tpu.memory_space<vmem>>
      %dma_wait3A_71 = arith.constant 0 : i32
      %dma_wait3A_72 = tpu.memref_slice %arg5[%add3A_32, %dma_wait3A_71] : memref<73x128xi32, #tpu.memory_space<vmem>> -> memref<1x128xi32, #tpu.memory_space<vmem>>
      %dma_wait3A_73 = tpu.memref_squeeze %dma_wait3A_72 : memref<1x128xi32, #tpu.memory_space<vmem>> -> memref<128xi32, #tpu.memory_space<vmem>>
      %dma_wait3A_74 = arith.constant 0 : i32
      %dma_wait3A_75 = arith.constant 0 : i32
      %dma_wait3A_76 = tpu.memref_slice %arg2[%dma_wait3A_74, %dma_wait3A_75] : memref<100000x64xf32, #tpu.memory_space<hbm>> -> memref<100000x64xf32, #tpu.memory_space<hbm>>
      tpu.wait_indirect_dma semaphore(%arg7 : memref<!tpu.dma_semaphore, #tpu.memory_space<semaphore_mem>>) src(%dma_wait3A_76 : memref<100000x64xf32, #tpu.memory_space<hbm>>) dst(%dma_wait3A_70 : memref<128x64xf32, #tpu.memory_space<vmem>>)
      %dma_wait3A_77 = arith.constant 128 : i32
      %dma_wait3A_78 = arith.constant 0 : i32
      %dma_wait3A_79 = tpu.memref_slice %arg6[%dma_wait3A_77, %dma_wait3A_78] : memref<384x64xf32, #tpu.memory_space<vmem>> -> memref<128x64xf32, #tpu.memory_space<vmem>>
      %dma_wait3A_80 = arith.constant 0 : i32
      %dma_wait3A_81 = tpu.memref_slice %arg5[%add3A_45, %dma_wait3A_80] : memref<73x128xi32, #tpu.memory_space<vmem>> -> memref<1x128xi32, #tpu.memory_space<vmem>>
      %dma_wait3A_82 = tpu.memref_squeeze %dma_wait3A_81 : memref<1x128xi32, #tpu.memory_space<vmem>> -> memref<128xi32, #tpu.memory_space<vmem>>
      %dma_wait3A_83 = arith.constant 0 : i32
      %dma_wait3A_84 = arith.constant 0 : i32
      %dma_wait3A_85 = tpu.memref_slice %arg2[%dma_wait3A_83, %dma_wait3A_84] : memref<100000x64xf32, #tpu.memory_space<hbm>> -> memref<100000x64xf32, #tpu.memory_space<hbm>>
      tpu.wait_indirect_dma semaphore(%arg7 : memref<!tpu.dma_semaphore, #tpu.memory_space<semaphore_mem>>) src(%dma_wait3A_85 : memref<100000x64xf32, #tpu.memory_space<hbm>>) dst(%dma_wait3A_79 : memref<128x64xf32, #tpu.memory_space<vmem>>)
      %dma_wait3A_86 = arith.constant 256 : i32
      %dma_wait3A_87 = arith.constant 0 : i32
      %dma_wait3A_88 = tpu.memref_slice %arg6[%dma_wait3A_86, %dma_wait3A_87] : memref<384x64xf32, #tpu.memory_space<vmem>> -> memref<128x64xf32, #tpu.memory_space<vmem>>
      %dma_wait3A_89 = arith.constant 0 : i32
      %dma_wait3A_90 = tpu.memref_slice %arg5[%add3A_58, %dma_wait3A_89] : memref<73x128xi32, #tpu.memory_space<vmem>> -> memref<1x128xi32, #tpu.memory_space<vmem>>
      %dma_wait3A_91 = tpu.memref_squeeze %dma_wait3A_90 : memref<1x128xi32, #tpu.memory_space<vmem>> -> memref<128xi32, #tpu.memory_space<vmem>>
      %dma_wait3A_92 = arith.constant 0 : i32
      %dma_wait3A_93 = arith.constant 0 : i32
      %dma_wait3A_94 = tpu.memref_slice %arg2[%dma_wait3A_92, %dma_wait3A_93] : memref<100000x64xf32, #tpu.memory_space<hbm>> -> memref<100000x64xf32, #tpu.memory_space<hbm>>
      tpu.wait_indirect_dma semaphore(%arg7 : memref<!tpu.dma_semaphore, #tpu.memory_space<semaphore_mem>>) src(%dma_wait3A_94 : memref<100000x64xf32, #tpu.memory_space<hbm>>) dst(%dma_wait3A_88 : memref<128x64xf32, #tpu.memory_space<vmem>>)
      %mul3A_95 = arith.constant 384 : i32
      %mul3A_96 = arith.muli %scan3A_28, %mul3A_95 : i32
      %add3A_97 = arith.addi %mul3A_2, %mul3A_96 : i32
      "tpu.region"() ({
        %run_scoped3A = tpu.sem_alloc : memref<!tpu.dma_semaphore, #tpu.memory_space<semaphore_mem>>
        %dma_start3A_98 = arith.constant 0 : i32
        %dma_start3A_99 = tpu.memref_slice %arg4[%add3A_97, %dma_start3A_98] : memref<299008x64xf32, #tpu.memory_space<hbm>> -> memref<384x64xf32, #tpu.memory_space<hbm>>
        %dma_start3A_100 = arith.constant 0 : i32
        %dma_start3A_101 = tpu.memref_slice %arg4[%add3A_97, %dma_start3A_100] : memref<299008x64xf32, #tpu.memory_space<hbm>> -> memref<384x64xf32, #tpu.memory_space<hbm>>
        tpu.enqueue_dma source(%arg6 : memref<384x64xf32, #tpu.memory_space<vmem>>) target(%dma_start3A_101 : memref<384x64xf32, #tpu.memory_space<hbm>>) target_semaphore(%run_scoped3A : memref<!tpu.dma_semaphore, #tpu.memory_space<semaphore_mem>>)
        %dma_wait3A_102 = arith.constant 0 : i32
        %dma_wait3A_103 = tpu.memref_slice %arg4[%add3A_97, %dma_wait3A_102] : memref<299008x64xf32, #tpu.memory_space<hbm>> -> memref<384x64xf32, #tpu.memory_space<hbm>>
        %dma_wait3A_104 = arith.constant 0 : i32
        %dma_wait3A_105 = tpu.memref_slice %arg4[%add3A_97, %dma_wait3A_104] : memref<299008x64xf32, #tpu.memory_space<hbm>> -> memref<384x64xf32, #tpu.memory_space<hbm>>
        tpu.wait_dma2 semaphore(%run_scoped3A : memref<!tpu.dma_semaphore, #tpu.memory_space<semaphore_mem>>) src(%arg6 : memref<384x64xf32, #tpu.memory_space<vmem>>) dst(%dma_wait3A_105 : memref<384x64xf32, #tpu.memory_space<hbm>>)
        tpu.yield
      }) : () -> ()
    }
    %scan3A_7 = arith.constant 24 : i32
    %dma_start3A = arith.constant 72 : i32
    %dma_start3A_8 = arith.constant 0 : i32
    %dma_start3A_9 = arith.constant 0 : i32
    %dma_start3A_10 = tpu.memref_slice %arg6[%dma_start3A_8, %dma_start3A_9] : memref<384x64xf32, #tpu.memory_space<vmem>> -> memref<128x64xf32, #tpu.memory_space<vmem>>
    %dma_start3A_11 = arith.constant 0 : i32
    %dma_start3A_12 = tpu.memref_slice %arg5[%dma_start3A, %dma_start3A_11] : memref<73x128xi32, #tpu.memory_space<vmem>> -> memref<1x128xi32, #tpu.memory_space<vmem>>
    %dma_start3A_13 = tpu.memref_squeeze %dma_start3A_12 : memref<1x128xi32, #tpu.memory_space<vmem>> -> memref<128xi32, #tpu.memory_space<vmem>>
    %dma_start3A_14 = arith.constant 0 : i32
    %dma_start3A_15 = arith.constant 0 : i32
    %dma_start3A_16 = tpu.memref_slice %arg2[%dma_start3A_14, %dma_start3A_15] : memref<100000x64xf32, #tpu.memory_space<hbm>> -> memref<100000x64xf32, #tpu.memory_space<hbm>>
    tpu.enqueue_indirect_dma source(%dma_start3A_16 : memref<100000x64xf32, #tpu.memory_space<hbm>>) target(%dma_start3A_10 : memref<128x64xf32, #tpu.memory_space<vmem>>) offsets(%dma_start3A_13 : memref<128xi32, #tpu.memory_space<vmem>>) semaphore(%arg7 : memref<!tpu.dma_semaphore, #tpu.memory_space<semaphore_mem>>)
    %dma_wait3A = arith.constant 72 : i32
    %dma_wait3A_17 = arith.constant 0 : i32
    %dma_wait3A_18 = arith.constant 0 : i32
    %dma_wait3A_19 = tpu.memref_slice %arg6[%dma_wait3A_17, %dma_wait3A_18] : memref<384x64xf32, #tpu.memory_space<vmem>> -> memref<128x64xf32, #tpu.memory_space<vmem>>
    %dma_wait3A_20 = arith.constant 0 : i32
    %dma_wait3A_21 = tpu.memref_slice %arg5[%dma_wait3A, %dma_wait3A_20] : memref<73x128xi32, #tpu.memory_space<vmem>> -> memref<1x128xi32, #tpu.memory_space<vmem>>
    %dma_wait3A_22 = tpu.memref_squeeze %dma_wait3A_21 : memref<1x128xi32, #tpu.memory_space<vmem>> -> memref<128xi32, #tpu.memory_space<vmem>>
    %dma_wait3A_23 = arith.constant 0 : i32
    %dma_wait3A_24 = arith.constant 0 : i32
    %dma_wait3A_25 = tpu.memref_slice %arg2[%dma_wait3A_23, %dma_wait3A_24] : memref<100000x64xf32, #tpu.memory_space<hbm>> -> memref<100000x64xf32, #tpu.memory_space<hbm>>
    tpu.wait_indirect_dma semaphore(%arg7 : memref<!tpu.dma_semaphore, #tpu.memory_space<semaphore_mem>>) src(%dma_wait3A_25 : memref<100000x64xf32, #tpu.memory_space<hbm>>) dst(%dma_wait3A_19 : memref<128x64xf32, #tpu.memory_space<vmem>>)
    %add3A_26 = arith.constant 9216 : i32
    %add3A_27 = arith.addi %mul3A_2, %add3A_26 : i32
    "tpu.region"() ({
      %run_scoped3A = tpu.sem_alloc : memref<!tpu.dma_semaphore, #tpu.memory_space<semaphore_mem>>
      %dma_start3A_28 = arith.constant 0 : i32
      %dma_start3A_29 = arith.constant 0 : i32
      %dma_start3A_30 = tpu.memref_slice %arg6[%dma_start3A_28, %dma_start3A_29] : memref<384x64xf32, #tpu.memory_space<vmem>> -> memref<128x64xf32, #tpu.memory_space<vmem>>
      %dma_start3A_31 = arith.constant 0 : i32
      %dma_start3A_32 = tpu.memref_slice %arg4[%add3A_27, %dma_start3A_31] : memref<299008x64xf32, #tpu.memory_space<hbm>> -> memref<128x64xf32, #tpu.memory_space<hbm>>
      %dma_start3A_33 = arith.constant 0 : i32
      %dma_start3A_34 = tpu.memref_slice %arg4[%add3A_27, %dma_start3A_33] : memref<299008x64xf32, #tpu.memory_space<hbm>> -> memref<128x64xf32, #tpu.memory_space<hbm>>
      %dma_start3A_35 = arith.constant 0 : i32
      %dma_start3A_36 = arith.constant 0 : i32
      %dma_start3A_37 = tpu.memref_slice %arg6[%dma_start3A_35, %dma_start3A_36] : memref<384x64xf32, #tpu.memory_space<vmem>> -> memref<128x64xf32, #tpu.memory_space<vmem>>
      tpu.enqueue_dma source(%dma_start3A_37 : memref<128x64xf32, #tpu.memory_space<vmem>>) target(%dma_start3A_34 : memref<128x64xf32, #tpu.memory_space<hbm>>) target_semaphore(%run_scoped3A : memref<!tpu.dma_semaphore, #tpu.memory_space<semaphore_mem>>)
      %dma_wait3A_38 = arith.constant 0 : i32
      %dma_wait3A_39 = arith.constant 0 : i32
      %dma_wait3A_40 = tpu.memref_slice %arg6[%dma_wait3A_38, %dma_wait3A_39] : memref<384x64xf32, #tpu.memory_space<vmem>> -> memref<128x64xf32, #tpu.memory_space<vmem>>
      %dma_wait3A_41 = arith.constant 0 : i32
      %dma_wait3A_42 = tpu.memref_slice %arg4[%add3A_27, %dma_wait3A_41] : memref<299008x64xf32, #tpu.memory_space<hbm>> -> memref<128x64xf32, #tpu.memory_space<hbm>>
      %dma_wait3A_43 = arith.constant 0 : i32
      %dma_wait3A_44 = tpu.memref_slice %arg4[%add3A_27, %dma_wait3A_43] : memref<299008x64xf32, #tpu.memory_space<hbm>> -> memref<128x64xf32, #tpu.memory_space<hbm>>
      %dma_wait3A_45 = arith.constant 0 : i32
      %dma_wait3A_46 = arith.constant 0 : i32
      %dma_wait3A_47 = tpu.memref_slice %arg6[%dma_wait3A_45, %dma_wait3A_46] : memref<384x64xf32, #tpu.memory_space<vmem>> -> memref<128x64xf32, #tpu.memory_space<vmem>>
      tpu.wait_dma2 semaphore(%run_scoped3A : memref<!tpu.dma_semaphore, #tpu.memory_space<semaphore_mem>>) src(%dma_wait3A_47 : memref<128x64xf32, #tpu.memory_space<vmem>>) dst(%dma_wait3A_44 : memref<128x64xf32, #tpu.memory_space<hbm>>)
      tpu.yield
    }) : () -> ()
    return
  }
}

#map = affine_map<(d0, d1) -> (0, 0)>
#map1 = affine_map<(d0, d1) -> (0, 0, 0)>
module attributes {stable_mosaic.version = 14 : i64} {
  func.func @_sc_gather_body(%arg0: i32, %arg1: i32, %arg2: memref<100000x64xf32, #tpu.memory_space<hbm>>, %arg3: memref<32x73x128xi32, #tpu.memory_space<hbm>>, %arg4: memref<299008x64xf32, #tpu.memory_space<hbm>>, %arg5: memref<73x128xi32, #tpu.memory_space<vmem>>, %arg6: memref<384x64xf32, #tpu.memory_space<vmem>>, %arg7: memref<!tpu.dma_semaphore, #tpu.memory_space<semaphore_mem>>) attributes {dimension_semantics = [#tpu.dimension_semantics<core_parallel>, #tpu.dimension_semantics<subcore_parallel>], iteration_bounds = array<i64: 2, 16>, scalar_prefetch = 0 : i64, scratch_operands = 3 : i64, tpu.core_type = #tpu.core_type<sc_vector_subcore>, window_params = [{transform_indices = #map}, {transform_indices = #map1}, {transform_indices = #map}]} {
    %mul3A = arith.constant 2 : i32
    %mul3A_0 = arith.muli %arg1, %mul3A : i32
    %add3A = arith.addi %mul3A_0, %arg0 : i32
    "tpu.region"() ({
      %run_scoped3A = tpu.sem_alloc : memref<!tpu.dma_semaphore, #tpu.memory_space<semaphore_mem>>
      %dma_start3A_28 = arith.constant 0 : i32
      %dma_start3A_29 = arith.constant 0 : i32
      %dma_start3A_30 = tpu.memref_slice %arg3[%add3A, %dma_start3A_28, %dma_start3A_29] : memref<32x73x128xi32, #tpu.memory_space<hbm>> -> memref<1x73x128xi32, #tpu.memory_space<hbm>>
      %dma_start3A_31 = tpu.memref_squeeze %dma_start3A_30 : memref<1x73x128xi32, #tpu.memory_space<hbm>> -> memref<73x128xi32, #tpu.memory_space<hbm>>
      %dma_start3A_32 = arith.constant 0 : i32
      %dma_start3A_33 = arith.constant 0 : i32
      %dma_start3A_34 = tpu.memref_slice %arg3[%add3A, %dma_start3A_32, %dma_start3A_33] : memref<32x73x128xi32, #tpu.memory_space<hbm>> -> memref<1x73x128xi32, #tpu.memory_space<hbm>>
      %dma_start3A_35 = tpu.memref_squeeze %dma_start3A_34 : memref<1x73x128xi32, #tpu.memory_space<hbm>> -> memref<73x128xi32, #tpu.memory_space<hbm>>
      tpu.enqueue_dma source(%dma_start3A_35 : memref<73x128xi32, #tpu.memory_space<hbm>>) target(%arg5 : memref<73x128xi32, #tpu.memory_space<vmem>>) target_semaphore(%run_scoped3A : memref<!tpu.dma_semaphore, #tpu.memory_space<semaphore_mem>>)
      %dma_wait3A_36 = arith.constant 0 : i32
      %dma_wait3A_37 = arith.constant 0 : i32
      %dma_wait3A_38 = tpu.memref_slice %arg3[%add3A, %dma_wait3A_36, %dma_wait3A_37] : memref<32x73x128xi32, #tpu.memory_space<hbm>> -> memref<1x73x128xi32, #tpu.memory_space<hbm>>
      %dma_wait3A_39 = tpu.memref_squeeze %dma_wait3A_38 : memref<1x73x128xi32, #tpu.memory_space<hbm>> -> memref<73x128xi32, #tpu.memory_space<hbm>>
      %dma_wait3A_40 = arith.constant 0 : i32
      %dma_wait3A_41 = arith.constant 0 : i32
      %dma_wait3A_42 = tpu.memref_slice %arg3[%add3A, %dma_wait3A_40, %dma_wait3A_41] : memref<32x73x128xi32, #tpu.memory_space<hbm>> -> memref<1x73x128xi32, #tpu.memory_space<hbm>>
      %dma_wait3A_43 = tpu.memref_squeeze %dma_wait3A_42 : memref<1x73x128xi32, #tpu.memory_space<hbm>> -> memref<73x128xi32, #tpu.memory_space<hbm>>
      tpu.wait_dma2 semaphore(%run_scoped3A : memref<!tpu.dma_semaphore, #tpu.memory_space<semaphore_mem>>) src(%dma_wait3A_43 : memref<73x128xi32, #tpu.memory_space<hbm>>) dst(%arg5 : memref<73x128xi32, #tpu.memory_space<vmem>>)
      tpu.yield
    }) : () -> ()
    %mul3A_1 = arith.constant 9344 : i32
    %mul3A_2 = arith.muli %add3A, %mul3A_1 : i32
    %scan3A = arith.constant 0 : i32
    %scan3A_3 = arith.constant 0 : i32
    %scan3A_4 = arith.constant 24 : i32
    %scan3A_5 = arith.addi %scan3A_3, %scan3A_4 : i32
    %scan3A_6 = arith.constant 1 : i32
    scf.for %scan3A_28 = %scan3A_3 to %scan3A_5 step %scan3A_6  : i32 {
      %mul3A_29 = arith.constant 3 : i32
      %mul3A_30 = arith.muli %scan3A_28, %mul3A_29 : i32
      %add3A_31 = arith.constant 0 : i32
      %add3A_32 = arith.addi %mul3A_30, %add3A_31 : i32
      %dma_start3A_33 = arith.constant 0 : i32
      %dma_start3A_34 = arith.constant 0 : i32
      %dma_start3A_35 = tpu.memref_slice %arg6[%dma_start3A_33, %dma_start3A_34] : memref<384x64xf32, #tpu.memory_space<vmem>> -> memref<128x64xf32, #tpu.memory_space<vmem>>
      %dma_start3A_36 = arith.constant 0 : i32
      %dma_start3A_37 = tpu.memref_slice %arg5[%add3A_32, %dma_start3A_36] : memref<73x128xi32, #tpu.memory_space<vmem>> -> memref<1x128xi32, #tpu.memory_space<vmem>>
      %dma_start3A_38 = tpu.memref_squeeze %dma_start3A_37 : memref<1x128xi32, #tpu.memory_space<vmem>> -> memref<128xi32, #tpu.memory_space<vmem>>
      %dma_start3A_39 = arith.constant 0 : i32
      %dma_start3A_40 = arith.constant 0 : i32
      %dma_start3A_41 = tpu.memref_slice %arg2[%dma_start3A_39, %dma_start3A_40] : memref<100000x64xf32, #tpu.memory_space<hbm>> -> memref<100000x64xf32, #tpu.memory_space<hbm>>
      tpu.enqueue_indirect_dma source(%dma_start3A_41 : memref<100000x64xf32, #tpu.memory_space<hbm>>) target(%dma_start3A_35 : memref<128x64xf32, #tpu.memory_space<vmem>>) offsets(%dma_start3A_38 : memref<128xi32, #tpu.memory_space<vmem>>) semaphore(%arg7 : memref<!tpu.dma_semaphore, #tpu.memory_space<semaphore_mem>>)
      %mul3A_42 = arith.constant 3 : i32
      %mul3A_43 = arith.muli %scan3A_28, %mul3A_42 : i32
      %add3A_44 = arith.constant 1 : i32
      %add3A_45 = arith.addi %mul3A_43, %add3A_44 : i32
      %dma_start3A_46 = arith.constant 128 : i32
      %dma_start3A_47 = arith.constant 0 : i32
      %dma_start3A_48 = tpu.memref_slice %arg6[%dma_start3A_46, %dma_start3A_47] : memref<384x64xf32, #tpu.memory_space<vmem>> -> memref<128x64xf32, #tpu.memory_space<vmem>>
      %dma_start3A_49 = arith.constant 0 : i32
      %dma_start3A_50 = tpu.memref_slice %arg5[%add3A_45, %dma_start3A_49] : memref<73x128xi32, #tpu.memory_space<vmem>> -> memref<1x128xi32, #tpu.memory_space<vmem>>
      %dma_start3A_51 = tpu.memref_squeeze %dma_start3A_50 : memref<1x128xi32, #tpu.memory_space<vmem>> -> memref<128xi32, #tpu.memory_space<vmem>>
      %dma_start3A_52 = arith.constant 0 : i32
      %dma_start3A_53 = arith.constant 0 : i32
      %dma_start3A_54 = tpu.memref_slice %arg2[%dma_start3A_52, %dma_start3A_53] : memref<100000x64xf32, #tpu.memory_space<hbm>> -> memref<100000x64xf32, #tpu.memory_space<hbm>>
      tpu.enqueue_indirect_dma source(%dma_start3A_54 : memref<100000x64xf32, #tpu.memory_space<hbm>>) target(%dma_start3A_48 : memref<128x64xf32, #tpu.memory_space<vmem>>) offsets(%dma_start3A_51 : memref<128xi32, #tpu.memory_space<vmem>>) semaphore(%arg7 : memref<!tpu.dma_semaphore, #tpu.memory_space<semaphore_mem>>)
      %mul3A_55 = arith.constant 3 : i32
      %mul3A_56 = arith.muli %scan3A_28, %mul3A_55 : i32
      %add3A_57 = arith.constant 2 : i32
      %add3A_58 = arith.addi %mul3A_56, %add3A_57 : i32
      %dma_start3A_59 = arith.constant 256 : i32
      %dma_start3A_60 = arith.constant 0 : i32
      %dma_start3A_61 = tpu.memref_slice %arg6[%dma_start3A_59, %dma_start3A_60] : memref<384x64xf32, #tpu.memory_space<vmem>> -> memref<128x64xf32, #tpu.memory_space<vmem>>
      %dma_start3A_62 = arith.constant 0 : i32
      %dma_start3A_63 = tpu.memref_slice %arg5[%add3A_58, %dma_start3A_62] : memref<73x128xi32, #tpu.memory_space<vmem>> -> memref<1x128xi32, #tpu.memory_space<vmem>>
      %dma_start3A_64 = tpu.memref_squeeze %dma_start3A_63 : memref<1x128xi32, #tpu.memory_space<vmem>> -> memref<128xi32, #tpu.memory_space<vmem>>
      %dma_start3A_65 = arith.constant 0 : i32
      %dma_start3A_66 = arith.constant 0 : i32
      %dma_start3A_67 = tpu.memref_slice %arg2[%dma_start3A_65, %dma_start3A_66] : memref<100000x64xf32, #tpu.memory_space<hbm>> -> memref<100000x64xf32, #tpu.memory_space<hbm>>
      tpu.enqueue_indirect_dma source(%dma_start3A_67 : memref<100000x64xf32, #tpu.memory_space<hbm>>) target(%dma_start3A_61 : memref<128x64xf32, #tpu.memory_space<vmem>>) offsets(%dma_start3A_64 : memref<128xi32, #tpu.memory_space<vmem>>) semaphore(%arg7 : memref<!tpu.dma_semaphore, #tpu.memory_space<semaphore_mem>>)
      %dma_wait3A_68 = arith.constant 0 : i32
      %dma_wait3A_69 = arith.constant 0 : i32
      %dma_wait3A_70 = tpu.memref_slice %arg6[%dma_wait3A_68, %dma_wait3A_69] : memref<384x64xf32, #tpu.memory_space<vmem>> -> memref<128x64xf32, #tpu.memory_space<vmem>>
      %dma_wait3A_71 = arith.constant 0 : i32
      %dma_wait3A_72 = tpu.memref_slice %arg5[%add3A_32, %dma_wait3A_71] : memref<73x128xi32, #tpu.memory_space<vmem>> -> memref<1x128xi32, #tpu.memory_space<vmem>>
      %dma_wait3A_73 = tpu.memref_squeeze %dma_wait3A_72 : memref<1x128xi32, #tpu.memory_space<vmem>> -> memref<128xi32, #tpu.memory_space<vmem>>
      %dma_wait3A_74 = arith.constant 0 : i32
      %dma_wait3A_75 = arith.constant 0 : i32
      %dma_wait3A_76 = tpu.memref_slice %arg2[%dma_wait3A_74, %dma_wait3A_75] : memref<100000x64xf32, #tpu.memory_space<hbm>> -> memref<100000x64xf32, #tpu.memory_space<hbm>>
      tpu.wait_indirect_dma semaphore(%arg7 : memref<!tpu.dma_semaphore, #tpu.memory_space<semaphore_mem>>) src(%dma_wait3A_76 : memref<100000x64xf32, #tpu.memory_space<hbm>>) dst(%dma_wait3A_70 : memref<128x64xf32, #tpu.memory_space<vmem>>)
      %dma_wait3A_77 = arith.constant 128 : i32
      %dma_wait3A_78 = arith.constant 0 : i32
      %dma_wait3A_79 = tpu.memref_slice %arg6[%dma_wait3A_77, %dma_wait3A_78] : memref<384x64xf32, #tpu.memory_space<vmem>> -> memref<128x64xf32, #tpu.memory_space<vmem>>
      %dma_wait3A_80 = arith.constant 0 : i32
      %dma_wait3A_81 = tpu.memref_slice %arg5[%add3A_45, %dma_wait3A_80] : memref<73x128xi32, #tpu.memory_space<vmem>> -> memref<1x128xi32, #tpu.memory_space<vmem>>
      %dma_wait3A_82 = tpu.memref_squeeze %dma_wait3A_81 : memref<1x128xi32, #tpu.memory_space<vmem>> -> memref<128xi32, #tpu.memory_space<vmem>>
      %dma_wait3A_83 = arith.constant 0 : i32
      %dma_wait3A_84 = arith.constant 0 : i32
      %dma_wait3A_85 = tpu.memref_slice %arg2[%dma_wait3A_83, %dma_wait3A_84] : memref<100000x64xf32, #tpu.memory_space<hbm>> -> memref<100000x64xf32, #tpu.memory_space<hbm>>
      tpu.wait_indirect_dma semaphore(%arg7 : memref<!tpu.dma_semaphore, #tpu.memory_space<semaphore_mem>>) src(%dma_wait3A_85 : memref<100000x64xf32, #tpu.memory_space<hbm>>) dst(%dma_wait3A_79 : memref<128x64xf32, #tpu.memory_space<vmem>>)
      %dma_wait3A_86 = arith.constant 256 : i32
      %dma_wait3A_87 = arith.constant 0 : i32
      %dma_wait3A_88 = tpu.memref_slice %arg6[%dma_wait3A_86, %dma_wait3A_87] : memref<384x64xf32, #tpu.memory_space<vmem>> -> memref<128x64xf32, #tpu.memory_space<vmem>>
      %dma_wait3A_89 = arith.constant 0 : i32
      %dma_wait3A_90 = tpu.memref_slice %arg5[%add3A_58, %dma_wait3A_89] : memref<73x128xi32, #tpu.memory_space<vmem>> -> memref<1x128xi32, #tpu.memory_space<vmem>>
      %dma_wait3A_91 = tpu.memref_squeeze %dma_wait3A_90 : memref<1x128xi32, #tpu.memory_space<vmem>> -> memref<128xi32, #tpu.memory_space<vmem>>
      %dma_wait3A_92 = arith.constant 0 : i32
      %dma_wait3A_93 = arith.constant 0 : i32
      %dma_wait3A_94 = tpu.memref_slice %arg2[%dma_wait3A_92, %dma_wait3A_93] : memref<100000x64xf32, #tpu.memory_space<hbm>> -> memref<100000x64xf32, #tpu.memory_space<hbm>>
      tpu.wait_indirect_dma semaphore(%arg7 : memref<!tpu.dma_semaphore, #tpu.memory_space<semaphore_mem>>) src(%dma_wait3A_94 : memref<100000x64xf32, #tpu.memory_space<hbm>>) dst(%dma_wait3A_88 : memref<128x64xf32, #tpu.memory_space<vmem>>)
      %mul3A_95 = arith.constant 384 : i32
      %mul3A_96 = arith.muli %scan3A_28, %mul3A_95 : i32
      %add3A_97 = arith.addi %mul3A_2, %mul3A_96 : i32
      "tpu.region"() ({
        %run_scoped3A = tpu.sem_alloc : memref<!tpu.dma_semaphore, #tpu.memory_space<semaphore_mem>>
        %dma_start3A_98 = arith.constant 0 : i32
        %dma_start3A_99 = tpu.memref_slice %arg4[%add3A_97, %dma_start3A_98] : memref<299008x64xf32, #tpu.memory_space<hbm>> -> memref<384x64xf32, #tpu.memory_space<hbm>>
        %dma_start3A_100 = arith.constant 0 : i32
        %dma_start3A_101 = tpu.memref_slice %arg4[%add3A_97, %dma_start3A_100] : memref<299008x64xf32, #tpu.memory_space<hbm>> -> memref<384x64xf32, #tpu.memory_space<hbm>>
        tpu.enqueue_dma source(%arg6 : memref<384x64xf32, #tpu.memory_space<vmem>>) target(%dma_start3A_101 : memref<384x64xf32, #tpu.memory_space<hbm>>) target_semaphore(%run_scoped3A : memref<!tpu.dma_semaphore, #tpu.memory_space<semaphore_mem>>)
        %dma_wait3A_102 = arith.constant 0 : i32
        %dma_wait3A_103 = tpu.memref_slice %arg4[%add3A_97, %dma_wait3A_102] : memref<299008x64xf32, #tpu.memory_space<hbm>> -> memref<384x64xf32, #tpu.memory_space<hbm>>
        %dma_wait3A_104 = arith.constant 0 : i32
        %dma_wait3A_105 = tpu.memref_slice %arg4[%add3A_97, %dma_wait3A_104] : memref<299008x64xf32, #tpu.memory_space<hbm>> -> memref<384x64xf32, #tpu.memory_space<hbm>>
        tpu.wait_dma2 semaphore(%run_scoped3A : memref<!tpu.dma_semaphore, #tpu.memory_space<semaphore_mem>>) src(%arg6 : memref<384x64xf32, #tpu.memory_space<vmem>>) dst(%dma_wait3A_105 : memref<384x64xf32, #tpu.memory_space<hbm>>)
        tpu.yield
      }) : () -> ()
    }
    %scan3A_7 = arith.constant 24 : i32
    %dma_start3A = arith.constant 72 : i32
    %dma_start3A_8 = arith.constant 0 : i32
    %dma_start3A_9 = arith.constant 0 : i32
    %dma_start3A_10 = tpu.memref_slice %arg6[%dma_start3A_8, %dma_start3A_9] : memref<384x64xf32, #tpu.memory_space<vmem>> -> memref<128x64xf32, #tpu.memory_space<vmem>>
    %dma_start3A_11 = arith.constant 0 : i32
    %dma_start3A_12 = tpu.memref_slice %arg5[%dma_start3A, %dma_start3A_11] : memref<73x128xi32, #tpu.memory_space<vmem>> -> memref<1x128xi32, #tpu.memory_space<vmem>>
    %dma_start3A_13 = tpu.memref_squeeze %dma_start3A_12 : memref<1x128xi32, #tpu.memory_space<vmem>> -> memref<128xi32, #tpu.memory_space<vmem>>
    %dma_start3A_14 = arith.constant 0 : i32
    %dma_start3A_15 = arith.constant 0 : i32
    %dma_start3A_16 = tpu.memref_slice %arg2[%dma_start3A_14, %dma_start3A_15] : memref<100000x64xf32, #tpu.memory_space<hbm>> -> memref<100000x64xf32, #tpu.memory_space<hbm>>
    tpu.enqueue_indirect_dma source(%dma_start3A_16 : memref<100000x64xf32, #tpu.memory_space<hbm>>) target(%dma_start3A_10 : memref<128x64xf32, #tpu.memory_space<vmem>>) offsets(%dma_start3A_13 : memref<128xi32, #tpu.memory_space<vmem>>) semaphore(%arg7 : memref<!tpu.dma_semaphore, #tpu.memory_space<semaphore_mem>>)
    %dma_wait3A = arith.constant 72 : i32
    %dma_wait3A_17 = arith.constant 0 : i32
    %dma_wait3A_18 = arith.constant 0 : i32
    %dma_wait3A_19 = tpu.memref_slice %arg6[%dma_wait3A_17, %dma_wait3A_18] : memref<384x64xf32, #tpu.memory_space<vmem>> -> memref<128x64xf32, #tpu.memory_space<vmem>>
    %dma_wait3A_20 = arith.constant 0 : i32
    %dma_wait3A_21 = tpu.memref_slice %arg5[%dma_wait3A, %dma_wait3A_20] : memref<73x128xi32, #tpu.memory_space<vmem>> -> memref<1x128xi32, #tpu.memory_space<vmem>>
    %dma_wait3A_22 = tpu.memref_squeeze %dma_wait3A_21 : memref<1x128xi32, #tpu.memory_space<vmem>> -> memref<128xi32, #tpu.memory_space<vmem>>
    %dma_wait3A_23 = arith.constant 0 : i32
    %dma_wait3A_24 = arith.constant 0 : i32
    %dma_wait3A_25 = tpu.memref_slice %arg2[%dma_wait3A_23, %dma_wait3A_24] : memref<100000x64xf32, #tpu.memory_space<hbm>> -> memref<100000x64xf32, #tpu.memory_space<hbm>>
    tpu.wait_indirect_dma semaphore(%arg7 : memref<!tpu.dma_semaphore, #tpu.memory_space<semaphore_mem>>) src(%dma_wait3A_25 : memref<100000x64xf32, #tpu.memory_space<hbm>>) dst(%dma_wait3A_19 : memref<128x64xf32, #tpu.memory_space<vmem>>)
    %add3A_26 = arith.constant 9216 : i32
    %add3A_27 = arith.addi %mul3A_2, %add3A_26 : i32
    "tpu.region"() ({
      %run_scoped3A = tpu.sem_alloc : memref<!tpu.dma_semaphore, #tpu.memory_space<semaphore_mem>>
      %dma_start3A_28 = arith.constant 0 : i32
      %dma_start3A_29 = arith.constant 0 : i32
      %dma_start3A_30 = tpu.memref_slice %arg6[%dma_start3A_28, %dma_start3A_29] : memref<384x64xf32, #tpu.memory_space<vmem>> -> memref<128x64xf32, #tpu.memory_space<vmem>>
      %dma_start3A_31 = arith.constant 0 : i32
      %dma_start3A_32 = tpu.memref_slice %arg4[%add3A_27, %dma_start3A_31] : memref<299008x64xf32, #tpu.memory_space<hbm>> -> memref<128x64xf32, #tpu.memory_space<hbm>>
      %dma_start3A_33 = arith.constant 0 : i32
      %dma_start3A_34 = tpu.memref_slice %arg4[%add3A_27, %dma_start3A_33] : memref<299008x64xf32, #tpu.memory_space<hbm>> -> memref<128x64xf32, #tpu.memory_space<hbm>>
      %dma_start3A_35 = arith.constant 0 : i32
      %dma_start3A_36 = arith.constant 0 : i32
      %dma_start3A_37 = tpu.memref_slice %arg6[%dma_start3A_35, %dma_start3A_36] : memref<384x64xf32, #tpu.memory_space<vmem>> -> memref<128x64xf32, #tpu.memory_space<vmem>>
      tpu.enqueue_dma source(%dma_start3A_37 : memref<128x64xf32, #tpu.memory_space<vmem>>) target(%dma_start3A_34 : memref<128x64xf32, #tpu.memory_space<hbm>>) target_semaphore(%run_scoped3A : memref<!tpu.dma_semaphore, #tpu.memory_space<semaphore_mem>>)
      %dma_wait3A_38 = arith.constant 0 : i32
      %dma_wait3A_39 = arith.constant 0 : i32
      %dma_wait3A_40 = tpu.memref_slice %arg6[%dma_wait3A_38, %dma_wait3A_39] : memref<384x64xf32, #tpu.memory_space<vmem>> -> memref<128x64xf32, #tpu.memory_space<vmem>>
      %dma_wait3A_41 = arith.constant 0 : i32
      %dma_wait3A_42 = tpu.memref_slice %arg4[%add3A_27, %dma_wait3A_41] : memref<299008x64xf32, #tpu.memory_space<hbm>> -> memref<128x64xf32, #tpu.memory_space<hbm>>
      %dma_wait3A_43 = arith.constant 0 : i32
      %dma_wait3A_44 = tpu.memref_slice %arg4[%add3A_27, %dma_wait3A_43] : memref<299008x64xf32, #tpu.memory_space<hbm>> -> memref<128x64xf32, #tpu.memory_space<hbm>>
      %dma_wait3A_45 = arith.constant 0 : i32
      %dma_wait3A_46 = arith.constant 0 : i32
      %dma_wait3A_47 = tpu.memref_slice %arg6[%dma_wait3A_45, %dma_wait3A_46] : memref<384x64xf32, #tpu.memory_space<vmem>> -> memref<128x64xf32, #tpu.memory_space<vmem>>
      tpu.wait_dma2 semaphore(%run_scoped3A : memref<!tpu.dma_semaphore, #tpu.memory_space<semaphore_mem>>) src(%dma_wait3A_47 : memref<128x64xf32, #tpu.memory_space<vmem>>) dst(%dma_wait3A_44 : memref<128x64xf32, #tpu.memory_space<hbm>>)
      tpu.yield
    }) : () -> ()
    return
  }
}

#map = affine_map<(d0, d1) -> (0, 0)>
#map1 = affine_map<(d0, d1) -> (0, 0, 0)>
module attributes {stable_mosaic.version = 14 : i64} {
  func.func @_sc_gather_body(%arg0: i32, %arg1: i32, %arg2: memref<100000x64xf32, #tpu.memory_space<hbm>>, %arg3: memref<32x73x128xi32, #tpu.memory_space<hbm>>, %arg4: memref<299008x64xf32, #tpu.memory_space<hbm>>, %arg5: memref<73x128xi32, #tpu.memory_space<vmem>>, %arg6: memref<384x64xf32, #tpu.memory_space<vmem>>, %arg7: memref<!tpu.dma_semaphore, #tpu.memory_space<semaphore_mem>>) attributes {dimension_semantics = [#tpu.dimension_semantics<core_parallel>, #tpu.dimension_semantics<subcore_parallel>], iteration_bounds = array<i64: 2, 16>, scalar_prefetch = 0 : i64, scratch_operands = 3 : i64, tpu.core_type = #tpu.core_type<sc_vector_subcore>, window_params = [{transform_indices = #map}, {transform_indices = #map1}, {transform_indices = #map}]} {
    %mul3A = arith.constant 2 : i32
    %mul3A_0 = arith.muli %arg1, %mul3A : i32
    %add3A = arith.addi %mul3A_0, %arg0 : i32
    "tpu.region"() ({
      %run_scoped3A = tpu.sem_alloc : memref<!tpu.dma_semaphore, #tpu.memory_space<semaphore_mem>>
      %dma_start3A_28 = arith.constant 0 : i32
      %dma_start3A_29 = arith.constant 0 : i32
      %dma_start3A_30 = tpu.memref_slice %arg3[%add3A, %dma_start3A_28, %dma_start3A_29] : memref<32x73x128xi32, #tpu.memory_space<hbm>> -> memref<1x73x128xi32, #tpu.memory_space<hbm>>
      %dma_start3A_31 = tpu.memref_squeeze %dma_start3A_30 : memref<1x73x128xi32, #tpu.memory_space<hbm>> -> memref<73x128xi32, #tpu.memory_space<hbm>>
      %dma_start3A_32 = arith.constant 0 : i32
      %dma_start3A_33 = arith.constant 0 : i32
      %dma_start3A_34 = tpu.memref_slice %arg3[%add3A, %dma_start3A_32, %dma_start3A_33] : memref<32x73x128xi32, #tpu.memory_space<hbm>> -> memref<1x73x128xi32, #tpu.memory_space<hbm>>
      %dma_start3A_35 = tpu.memref_squeeze %dma_start3A_34 : memref<1x73x128xi32, #tpu.memory_space<hbm>> -> memref<73x128xi32, #tpu.memory_space<hbm>>
      tpu.enqueue_dma source(%dma_start3A_35 : memref<73x128xi32, #tpu.memory_space<hbm>>) target(%arg5 : memref<73x128xi32, #tpu.memory_space<vmem>>) target_semaphore(%run_scoped3A : memref<!tpu.dma_semaphore, #tpu.memory_space<semaphore_mem>>)
      %dma_wait3A_36 = arith.constant 0 : i32
      %dma_wait3A_37 = arith.constant 0 : i32
      %dma_wait3A_38 = tpu.memref_slice %arg3[%add3A, %dma_wait3A_36, %dma_wait3A_37] : memref<32x73x128xi32, #tpu.memory_space<hbm>> -> memref<1x73x128xi32, #tpu.memory_space<hbm>>
      %dma_wait3A_39 = tpu.memref_squeeze %dma_wait3A_38 : memref<1x73x128xi32, #tpu.memory_space<hbm>> -> memref<73x128xi32, #tpu.memory_space<hbm>>
      %dma_wait3A_40 = arith.constant 0 : i32
      %dma_wait3A_41 = arith.constant 0 : i32
      %dma_wait3A_42 = tpu.memref_slice %arg3[%add3A, %dma_wait3A_40, %dma_wait3A_41] : memref<32x73x128xi32, #tpu.memory_space<hbm>> -> memref<1x73x128xi32, #tpu.memory_space<hbm>>
      %dma_wait3A_43 = tpu.memref_squeeze %dma_wait3A_42 : memref<1x73x128xi32, #tpu.memory_space<hbm>> -> memref<73x128xi32, #tpu.memory_space<hbm>>
      tpu.wait_dma2 semaphore(%run_scoped3A : memref<!tpu.dma_semaphore, #tpu.memory_space<semaphore_mem>>) src(%dma_wait3A_43 : memref<73x128xi32, #tpu.memory_space<hbm>>) dst(%arg5 : memref<73x128xi32, #tpu.memory_space<vmem>>)
      tpu.yield
    }) : () -> ()
    %mul3A_1 = arith.constant 9344 : i32
    %mul3A_2 = arith.muli %add3A, %mul3A_1 : i32
    %scan3A = arith.constant 0 : i32
    %scan3A_3 = arith.constant 0 : i32
    %scan3A_4 = arith.constant 24 : i32
    %scan3A_5 = arith.addi %scan3A_3, %scan3A_4 : i32
    %scan3A_6 = arith.constant 1 : i32
    scf.for %scan3A_28 = %scan3A_3 to %scan3A_5 step %scan3A_6  : i32 {
      %mul3A_29 = arith.constant 3 : i32
      %mul3A_30 = arith.muli %scan3A_28, %mul3A_29 : i32
      %add3A_31 = arith.constant 0 : i32
      %add3A_32 = arith.addi %mul3A_30, %add3A_31 : i32
      %dma_start3A_33 = arith.constant 0 : i32
      %dma_start3A_34 = arith.constant 0 : i32
      %dma_start3A_35 = tpu.memref_slice %arg6[%dma_start3A_33, %dma_start3A_34] : memref<384x64xf32, #tpu.memory_space<vmem>> -> memref<128x64xf32, #tpu.memory_space<vmem>>
      %dma_start3A_36 = arith.constant 0 : i32
      %dma_start3A_37 = tpu.memref_slice %arg5[%add3A_32, %dma_start3A_36] : memref<73x128xi32, #tpu.memory_space<vmem>> -> memref<1x128xi32, #tpu.memory_space<vmem>>
      %dma_start3A_38 = tpu.memref_squeeze %dma_start3A_37 : memref<1x128xi32, #tpu.memory_space<vmem>> -> memref<128xi32, #tpu.memory_space<vmem>>
      %dma_start3A_39 = arith.constant 0 : i32
      %dma_start3A_40 = arith.constant 0 : i32
      %dma_start3A_41 = tpu.memref_slice %arg2[%dma_start3A_39, %dma_start3A_40] : memref<100000x64xf32, #tpu.memory_space<hbm>> -> memref<100000x64xf32, #tpu.memory_space<hbm>>
      tpu.enqueue_indirect_dma source(%dma_start3A_41 : memref<100000x64xf32, #tpu.memory_space<hbm>>) target(%dma_start3A_35 : memref<128x64xf32, #tpu.memory_space<vmem>>) offsets(%dma_start3A_38 : memref<128xi32, #tpu.memory_space<vmem>>) semaphore(%arg7 : memref<!tpu.dma_semaphore, #tpu.memory_space<semaphore_mem>>)
      %mul3A_42 = arith.constant 3 : i32
      %mul3A_43 = arith.muli %scan3A_28, %mul3A_42 : i32
      %add3A_44 = arith.constant 1 : i32
      %add3A_45 = arith.addi %mul3A_43, %add3A_44 : i32
      %dma_start3A_46 = arith.constant 128 : i32
      %dma_start3A_47 = arith.constant 0 : i32
      %dma_start3A_48 = tpu.memref_slice %arg6[%dma_start3A_46, %dma_start3A_47] : memref<384x64xf32, #tpu.memory_space<vmem>> -> memref<128x64xf32, #tpu.memory_space<vmem>>
      %dma_start3A_49 = arith.constant 0 : i32
      %dma_start3A_50 = tpu.memref_slice %arg5[%add3A_45, %dma_start3A_49] : memref<73x128xi32, #tpu.memory_space<vmem>> -> memref<1x128xi32, #tpu.memory_space<vmem>>
      %dma_start3A_51 = tpu.memref_squeeze %dma_start3A_50 : memref<1x128xi32, #tpu.memory_space<vmem>> -> memref<128xi32, #tpu.memory_space<vmem>>
      %dma_start3A_52 = arith.constant 0 : i32
      %dma_start3A_53 = arith.constant 0 : i32
      %dma_start3A_54 = tpu.memref_slice %arg2[%dma_start3A_52, %dma_start3A_53] : memref<100000x64xf32, #tpu.memory_space<hbm>> -> memref<100000x64xf32, #tpu.memory_space<hbm>>
      tpu.enqueue_indirect_dma source(%dma_start3A_54 : memref<100000x64xf32, #tpu.memory_space<hbm>>) target(%dma_start3A_48 : memref<128x64xf32, #tpu.memory_space<vmem>>) offsets(%dma_start3A_51 : memref<128xi32, #tpu.memory_space<vmem>>) semaphore(%arg7 : memref<!tpu.dma_semaphore, #tpu.memory_space<semaphore_mem>>)
      %mul3A_55 = arith.constant 3 : i32
      %mul3A_56 = arith.muli %scan3A_28, %mul3A_55 : i32
      %add3A_57 = arith.constant 2 : i32
      %add3A_58 = arith.addi %mul3A_56, %add3A_57 : i32
      %dma_start3A_59 = arith.constant 256 : i32
      %dma_start3A_60 = arith.constant 0 : i32
      %dma_start3A_61 = tpu.memref_slice %arg6[%dma_start3A_59, %dma_start3A_60] : memref<384x64xf32, #tpu.memory_space<vmem>> -> memref<128x64xf32, #tpu.memory_space<vmem>>
      %dma_start3A_62 = arith.constant 0 : i32
      %dma_start3A_63 = tpu.memref_slice %arg5[%add3A_58, %dma_start3A_62] : memref<73x128xi32, #tpu.memory_space<vmem>> -> memref<1x128xi32, #tpu.memory_space<vmem>>
      %dma_start3A_64 = tpu.memref_squeeze %dma_start3A_63 : memref<1x128xi32, #tpu.memory_space<vmem>> -> memref<128xi32, #tpu.memory_space<vmem>>
      %dma_start3A_65 = arith.constant 0 : i32
      %dma_start3A_66 = arith.constant 0 : i32
      %dma_start3A_67 = tpu.memref_slice %arg2[%dma_start3A_65, %dma_start3A_66] : memref<100000x64xf32, #tpu.memory_space<hbm>> -> memref<100000x64xf32, #tpu.memory_space<hbm>>
      tpu.enqueue_indirect_dma source(%dma_start3A_67 : memref<100000x64xf32, #tpu.memory_space<hbm>>) target(%dma_start3A_61 : memref<128x64xf32, #tpu.memory_space<vmem>>) offsets(%dma_start3A_64 : memref<128xi32, #tpu.memory_space<vmem>>) semaphore(%arg7 : memref<!tpu.dma_semaphore, #tpu.memory_space<semaphore_mem>>)
      %dma_wait3A_68 = arith.constant 0 : i32
      %dma_wait3A_69 = arith.constant 0 : i32
      %dma_wait3A_70 = tpu.memref_slice %arg6[%dma_wait3A_68, %dma_wait3A_69] : memref<384x64xf32, #tpu.memory_space<vmem>> -> memref<128x64xf32, #tpu.memory_space<vmem>>
      %dma_wait3A_71 = arith.constant 0 : i32
      %dma_wait3A_72 = tpu.memref_slice %arg5[%add3A_32, %dma_wait3A_71] : memref<73x128xi32, #tpu.memory_space<vmem>> -> memref<1x128xi32, #tpu.memory_space<vmem>>
      %dma_wait3A_73 = tpu.memref_squeeze %dma_wait3A_72 : memref<1x128xi32, #tpu.memory_space<vmem>> -> memref<128xi32, #tpu.memory_space<vmem>>
      %dma_wait3A_74 = arith.constant 0 : i32
      %dma_wait3A_75 = arith.constant 0 : i32
      %dma_wait3A_76 = tpu.memref_slice %arg2[%dma_wait3A_74, %dma_wait3A_75] : memref<100000x64xf32, #tpu.memory_space<hbm>> -> memref<100000x64xf32, #tpu.memory_space<hbm>>
      tpu.wait_indirect_dma semaphore(%arg7 : memref<!tpu.dma_semaphore, #tpu.memory_space<semaphore_mem>>) src(%dma_wait3A_76 : memref<100000x64xf32, #tpu.memory_space<hbm>>) dst(%dma_wait3A_70 : memref<128x64xf32, #tpu.memory_space<vmem>>)
      %dma_wait3A_77 = arith.constant 128 : i32
      %dma_wait3A_78 = arith.constant 0 : i32
      %dma_wait3A_79 = tpu.memref_slice %arg6[%dma_wait3A_77, %dma_wait3A_78] : memref<384x64xf32, #tpu.memory_space<vmem>> -> memref<128x64xf32, #tpu.memory_space<vmem>>
      %dma_wait3A_80 = arith.constant 0 : i32
      %dma_wait3A_81 = tpu.memref_slice %arg5[%add3A_45, %dma_wait3A_80] : memref<73x128xi32, #tpu.memory_space<vmem>> -> memref<1x128xi32, #tpu.memory_space<vmem>>
      %dma_wait3A_82 = tpu.memref_squeeze %dma_wait3A_81 : memref<1x128xi32, #tpu.memory_space<vmem>> -> memref<128xi32, #tpu.memory_space<vmem>>
      %dma_wait3A_83 = arith.constant 0 : i32
      %dma_wait3A_84 = arith.constant 0 : i32
      %dma_wait3A_85 = tpu.memref_slice %arg2[%dma_wait3A_83, %dma_wait3A_84] : memref<100000x64xf32, #tpu.memory_space<hbm>> -> memref<100000x64xf32, #tpu.memory_space<hbm>>
      tpu.wait_indirect_dma semaphore(%arg7 : memref<!tpu.dma_semaphore, #tpu.memory_space<semaphore_mem>>) src(%dma_wait3A_85 : memref<100000x64xf32, #tpu.memory_space<hbm>>) dst(%dma_wait3A_79 : memref<128x64xf32, #tpu.memory_space<vmem>>)
      %dma_wait3A_86 = arith.constant 256 : i32
      %dma_wait3A_87 = arith.constant 0 : i32
      %dma_wait3A_88 = tpu.memref_slice %arg6[%dma_wait3A_86, %dma_wait3A_87] : memref<384x64xf32, #tpu.memory_space<vmem>> -> memref<128x64xf32, #tpu.memory_space<vmem>>
      %dma_wait3A_89 = arith.constant 0 : i32
      %dma_wait3A_90 = tpu.memref_slice %arg5[%add3A_58, %dma_wait3A_89] : memref<73x128xi32, #tpu.memory_space<vmem>> -> memref<1x128xi32, #tpu.memory_space<vmem>>
      %dma_wait3A_91 = tpu.memref_squeeze %dma_wait3A_90 : memref<1x128xi32, #tpu.memory_space<vmem>> -> memref<128xi32, #tpu.memory_space<vmem>>
      %dma_wait3A_92 = arith.constant 0 : i32
      %dma_wait3A_93 = arith.constant 0 : i32
      %dma_wait3A_94 = tpu.memref_slice %arg2[%dma_wait3A_92, %dma_wait3A_93] : memref<100000x64xf32, #tpu.memory_space<hbm>> -> memref<100000x64xf32, #tpu.memory_space<hbm>>
      tpu.wait_indirect_dma semaphore(%arg7 : memref<!tpu.dma_semaphore, #tpu.memory_space<semaphore_mem>>) src(%dma_wait3A_94 : memref<100000x64xf32, #tpu.memory_space<hbm>>) dst(%dma_wait3A_88 : memref<128x64xf32, #tpu.memory_space<vmem>>)
      %mul3A_95 = arith.constant 384 : i32
      %mul3A_96 = arith.muli %scan3A_28, %mul3A_95 : i32
      %add3A_97 = arith.addi %mul3A_2, %mul3A_96 : i32
      "tpu.region"() ({
        %run_scoped3A = tpu.sem_alloc : memref<!tpu.dma_semaphore, #tpu.memory_space<semaphore_mem>>
        %dma_start3A_98 = arith.constant 0 : i32
        %dma_start3A_99 = tpu.memref_slice %arg4[%add3A_97, %dma_start3A_98] : memref<299008x64xf32, #tpu.memory_space<hbm>> -> memref<384x64xf32, #tpu.memory_space<hbm>>
        %dma_start3A_100 = arith.constant 0 : i32
        %dma_start3A_101 = tpu.memref_slice %arg4[%add3A_97, %dma_start3A_100] : memref<299008x64xf32, #tpu.memory_space<hbm>> -> memref<384x64xf32, #tpu.memory_space<hbm>>
        tpu.enqueue_dma source(%arg6 : memref<384x64xf32, #tpu.memory_space<vmem>>) target(%dma_start3A_101 : memref<384x64xf32, #tpu.memory_space<hbm>>) target_semaphore(%run_scoped3A : memref<!tpu.dma_semaphore, #tpu.memory_space<semaphore_mem>>)
        %dma_wait3A_102 = arith.constant 0 : i32
        %dma_wait3A_103 = tpu.memref_slice %arg4[%add3A_97, %dma_wait3A_102] : memref<299008x64xf32, #tpu.memory_space<hbm>> -> memref<384x64xf32, #tpu.memory_space<hbm>>
        %dma_wait3A_104 = arith.constant 0 : i32
        %dma_wait3A_105 = tpu.memref_slice %arg4[%add3A_97, %dma_wait3A_104] : memref<299008x64xf32, #tpu.memory_space<hbm>> -> memref<384x64xf32, #tpu.memory_space<hbm>>
        tpu.wait_dma2 semaphore(%run_scoped3A : memref<!tpu.dma_semaphore, #tpu.memory_space<semaphore_mem>>) src(%arg6 : memref<384x64xf32, #tpu.memory_space<vmem>>) dst(%dma_wait3A_105 : memref<384x64xf32, #tpu.memory_space<hbm>>)
        tpu.yield
      }) : () -> ()
    }
    %scan3A_7 = arith.constant 24 : i32
    %dma_start3A = arith.constant 72 : i32
    %dma_start3A_8 = arith.constant 0 : i32
    %dma_start3A_9 = arith.constant 0 : i32
    %dma_start3A_10 = tpu.memref_slice %arg6[%dma_start3A_8, %dma_start3A_9] : memref<384x64xf32, #tpu.memory_space<vmem>> -> memref<128x64xf32, #tpu.memory_space<vmem>>
    %dma_start3A_11 = arith.constant 0 : i32
    %dma_start3A_12 = tpu.memref_slice %arg5[%dma_start3A, %dma_start3A_11] : memref<73x128xi32, #tpu.memory_space<vmem>> -> memref<1x128xi32, #tpu.memory_space<vmem>>
    %dma_start3A_13 = tpu.memref_squeeze %dma_start3A_12 : memref<1x128xi32, #tpu.memory_space<vmem>> -> memref<128xi32, #tpu.memory_space<vmem>>
    %dma_start3A_14 = arith.constant 0 : i32
    %dma_start3A_15 = arith.constant 0 : i32
    %dma_start3A_16 = tpu.memref_slice %arg2[%dma_start3A_14, %dma_start3A_15] : memref<100000x64xf32, #tpu.memory_space<hbm>> -> memref<100000x64xf32, #tpu.memory_space<hbm>>
    tpu.enqueue_indirect_dma source(%dma_start3A_16 : memref<100000x64xf32, #tpu.memory_space<hbm>>) target(%dma_start3A_10 : memref<128x64xf32, #tpu.memory_space<vmem>>) offsets(%dma_start3A_13 : memref<128xi32, #tpu.memory_space<vmem>>) semaphore(%arg7 : memref<!tpu.dma_semaphore, #tpu.memory_space<semaphore_mem>>)
    %dma_wait3A = arith.constant 72 : i32
    %dma_wait3A_17 = arith.constant 0 : i32
    %dma_wait3A_18 = arith.constant 0 : i32
    %dma_wait3A_19 = tpu.memref_slice %arg6[%dma_wait3A_17, %dma_wait3A_18] : memref<384x64xf32, #tpu.memory_space<vmem>> -> memref<128x64xf32, #tpu.memory_space<vmem>>
    %dma_wait3A_20 = arith.constant 0 : i32
    %dma_wait3A_21 = tpu.memref_slice %arg5[%dma_wait3A, %dma_wait3A_20] : memref<73x128xi32, #tpu.memory_space<vmem>> -> memref<1x128xi32, #tpu.memory_space<vmem>>
    %dma_wait3A_22 = tpu.memref_squeeze %dma_wait3A_21 : memref<1x128xi32, #tpu.memory_space<vmem>> -> memref<128xi32, #tpu.memory_space<vmem>>
    %dma_wait3A_23 = arith.constant 0 : i32
    %dma_wait3A_24 = arith.constant 0 : i32
    %dma_wait3A_25 = tpu.memref_slice %arg2[%dma_wait3A_23, %dma_wait3A_24] : memref<100000x64xf32, #tpu.memory_space<hbm>> -> memref<100000x64xf32, #tpu.memory_space<hbm>>
    tpu.wait_indirect_dma semaphore(%arg7 : memref<!tpu.dma_semaphore, #tpu.memory_space<semaphore_mem>>) src(%dma_wait3A_25 : memref<100000x64xf32, #tpu.memory_space<hbm>>) dst(%dma_wait3A_19 : memref<128x64xf32, #tpu.memory_space<vmem>>)
    %add3A_26 = arith.constant 9216 : i32
    %add3A_27 = arith.addi %mul3A_2, %add3A_26 : i32
    "tpu.region"() ({
      %run_scoped3A = tpu.sem_alloc : memref<!tpu.dma_semaphore, #tpu.memory_space<semaphore_mem>>
      %dma_start3A_28 = arith.constant 0 : i32
      %dma_start3A_29 = arith.constant 0 : i32
      %dma_start3A_30 = tpu.memref_slice %arg6[%dma_start3A_28, %dma_start3A_29] : memref<384x64xf32, #tpu.memory_space<vmem>> -> memref<128x64xf32, #tpu.memory_space<vmem>>
      %dma_start3A_31 = arith.constant 0 : i32
      %dma_start3A_32 = tpu.memref_slice %arg4[%add3A_27, %dma_start3A_31] : memref<299008x64xf32, #tpu.memory_space<hbm>> -> memref<128x64xf32, #tpu.memory_space<hbm>>
      %dma_start3A_33 = arith.constant 0 : i32
      %dma_start3A_34 = tpu.memref_slice %arg4[%add3A_27, %dma_start3A_33] : memref<299008x64xf32, #tpu.memory_space<hbm>> -> memref<128x64xf32, #tpu.memory_space<hbm>>
      %dma_start3A_35 = arith.constant 0 : i32
      %dma_start3A_36 = arith.constant 0 : i32
      %dma_start3A_37 = tpu.memref_slice %arg6[%dma_start3A_35, %dma_start3A_36] : memref<384x64xf32, #tpu.memory_space<vmem>> -> memref<128x64xf32, #tpu.memory_space<vmem>>
      tpu.enqueue_dma source(%dma_start3A_37 : memref<128x64xf32, #tpu.memory_space<vmem>>) target(%dma_start3A_34 : memref<128x64xf32, #tpu.memory_space<hbm>>) target_semaphore(%run_scoped3A : memref<!tpu.dma_semaphore, #tpu.memory_space<semaphore_mem>>)
      %dma_wait3A_38 = arith.constant 0 : i32
      %dma_wait3A_39 = arith.constant 0 : i32
      %dma_wait3A_40 = tpu.memref_slice %arg6[%dma_wait3A_38, %dma_wait3A_39] : memref<384x64xf32, #tpu.memory_space<vmem>> -> memref<128x64xf32, #tpu.memory_space<vmem>>
      %dma_wait3A_41 = arith.constant 0 : i32
      %dma_wait3A_42 = tpu.memref_slice %arg4[%add3A_27, %dma_wait3A_41] : memref<299008x64xf32, #tpu.memory_space<hbm>> -> memref<128x64xf32, #tpu.memory_space<hbm>>
      %dma_wait3A_43 = arith.constant 0 : i32
      %dma_wait3A_44 = tpu.memref_slice %arg4[%add3A_27, %dma_wait3A_43] : memref<299008x64xf32, #tpu.memory_space<hbm>> -> memref<128x64xf32, #tpu.memory_space<hbm>>
      %dma_wait3A_45 = arith.constant 0 : i32
      %dma_wait3A_46 = arith.constant 0 : i32
      %dma_wait3A_47 = tpu.memref_slice %arg6[%dma_wait3A_45, %dma_wait3A_46] : memref<384x64xf32, #tpu.memory_space<vmem>> -> memref<128x64xf32, #tpu.memory_space<vmem>>
      tpu.wait_dma2 semaphore(%run_scoped3A : memref<!tpu.dma_semaphore, #tpu.memory_space<semaphore_mem>>) src(%dma_wait3A_47 : memref<128x64xf32, #tpu.memory_space<vmem>>) dst(%dma_wait3A_44 : memref<128x64xf32, #tpu.memory_space<hbm>>)
      tpu.yield
    }) : () -> ()
    return
  }
}

module attributes {stable_mosaic.version = 14 : i64} {
  func.func @_tc_tree_body(%arg0: i32, %arg1: memref<4096x128xf32, #tpu.memory_space<vmem>>, %arg2: memref<512x128xf32, #tpu.memory_space<vmem>>, %arg3: memref<64x128xf32, #tpu.memory_space<vmem>>, %arg4: memref<128x384xf32, #tpu.memory_space<vmem>>, %arg5: memref<1x384xf32, #tpu.memory_space<vmem>>, %arg6: memref<128x384xf32, #tpu.memory_space<vmem>>, %arg7: memref<128x128xf32, #tpu.memory_space<vmem>>, %arg8: memref<1x128xf32, #tpu.memory_space<vmem>>, %arg9: memref<128x128xf32, #tpu.memory_space<vmem>>, %arg10: memref<64x128xf32, #tpu.memory_space<vmem>>) attributes {dimension_semantics = [#tpu.dimension_semantics<parallel>], iteration_bounds = array<i64: 32>, scalar_prefetch = 0 : i64, scratch_operands = 0 : i64, tpu.core_type = #tpu.core_type<tc>, window_params = [{transform_indices = @transform_0, window_bounds = array<i64: 4096, 128>}, {transform_indices = @transform_1, window_bounds = array<i64: 512, 128>}, {transform_indices = @transform_2, window_bounds = array<i64: 64, 128>}, {pipeline_mode = #tpu.pipeline_mode<synchronous>, transform_indices = @transform_3, window_bounds = array<i64: 128, 384>}, {pipeline_mode = #tpu.pipeline_mode<synchronous>, transform_indices = @transform_4, window_bounds = array<i64: 1, 384>}, {pipeline_mode = #tpu.pipeline_mode<synchronous>, transform_indices = @transform_5, window_bounds = array<i64: 128, 384>}, {pipeline_mode = #tpu.pipeline_mode<synchronous>, transform_indices = @transform_6, window_bounds = array<i64: 128, 128>}, {pipeline_mode = #tpu.pipeline_mode<synchronous>, transform_indices = @transform_7, window_bounds = array<i64: 1, 128>}, {pipeline_mode = #tpu.pipeline_mode<synchronous>, transform_indices = @transform_8, window_bounds = array<i64: 128, 128>}, {transform_indices = @transform_9, window_bounds = array<i64: 64, 128>}]} {
    %get3A = arith.constant 0 : index
    %get3A_0 = arith.constant 0 : index
    %get3A_1 = vector.load %arg1[%get3A, %get3A_0] : memref<4096x128xf32, #tpu.memory_space<vmem>>, vector<4096x128xf32>
    %get3A_2 = arith.constant 0 : index
    %get3A_3 = arith.constant 0 : index
    %get3A_4 = vector.load %arg2[%get3A_2, %get3A_3] : memref<512x128xf32, #tpu.memory_space<vmem>>, vector<512x128xf32>
    %get3A_5 = arith.constant 0 : index
    %get3A_6 = arith.constant 0 : index
    %get3A_7 = vector.load %arg3[%get3A_5, %get3A_6] : memref<64x128xf32, #tpu.memory_space<vmem>>, vector<64x128xf32>
    %get3A_8 = arith.constant 0 : index
    %get3A_9 = arith.constant 0 : index
    %get3A_10 = vector.load %arg4[%get3A_8, %get3A_9] : memref<128x384xf32, #tpu.memory_space<vmem>>, vector<128x384xf32>
    %get3A_11 = arith.constant 0 : index
    %get3A_12 = arith.constant 0 : index
    %get3A_13 = vector.load %arg5[%get3A_11, %get3A_12] : memref<1x384xf32, #tpu.memory_space<vmem>>, vector<1x384xf32>
    %get3A_14 = arith.constant 0 : index
    %get3A_15 = arith.constant 0 : index
    %get3A_16 = vector.load %arg6[%get3A_14, %get3A_15] : memref<128x384xf32, #tpu.memory_space<vmem>>, vector<128x384xf32>
    %get3A_17 = arith.constant 0 : index
    %get3A_18 = arith.constant 0 : index
    %get3A_19 = vector.load %arg7[%get3A_17, %get3A_18] : memref<128x128xf32, #tpu.memory_space<vmem>>, vector<128x128xf32>
    %get3A_20 = arith.constant 0 : index
    %get3A_21 = arith.constant 0 : index
    %get3A_22 = vector.load %arg8[%get3A_20, %get3A_21] : memref<1x128xf32, #tpu.memory_space<vmem>>, vector<1x128xf32>
    %get3A_23 = arith.constant 0 : index
    %get3A_24 = arith.constant 0 : index
    %get3A_25 = vector.load %arg9[%get3A_23, %get3A_24] : memref<128x128xf32, #tpu.memory_space<vmem>>, vector<128x128xf32>
    %dot_general3A = arith.constant dense<0.000000e+00> : vector<4096x384xf32>
    %dot_general3A_26 = tpu.matmul %get3A_1, %get3A_10, %dot_general3A {dimension_numbers = #tpu.dot_dimension_numbers<[1], [0], [0], [1], [0, 0, 1, 1], [], []>, transpose_lhs_hint = false} : vector<4096x128xf32>, vector<128x384xf32>, vector<4096x384xf32> -> vector<4096x384xf32>
    %add3A = vector.broadcast %get3A_13 : vector<1x384xf32> to vector<4096x384xf32>
    %add3A_27 = arith.addf %dot_general3A_26, %add3A : vector<4096x384xf32>
    %slice3A = vector.extract_strided_slice %add3A_27 {offsets = [0, 0], sizes = [4096, 256], strides = [1, 1]} : vector<4096x384xf32> to vector<4096x256xf32>
    %tanh3A = math.tanh %slice3A : vector<4096x256xf32>
    %mul3A = arith.constant 5.000000e-01 : f32
    %mul3A_28 = vector.broadcast %mul3A : f32 to vector<4096x256xf32>
    %mul3A_29 = arith.mulf %mul3A_28, %tanh3A : vector<4096x256xf32>
    %add3A_30 = arith.constant 5.000000e-01 : f32
    %add3A_31 = vector.broadcast %add3A_30 : f32 to vector<4096x256xf32>
    %add3A_32 = arith.addf %mul3A_29, %add3A_31 : vector<4096x256xf32>
    %slice3A_33 = vector.extract_strided_slice %add3A_27 {offsets = [0, 256], sizes = [4096, 128], strides = [1, 1]} : vector<4096x384xf32> to vector<4096x128xf32>
    %tanh3A_34 = math.tanh %slice3A_33 : vector<4096x128xf32>
    %slice3A_35 = vector.extract_strided_slice %add3A_32 {offsets = [0, 0], sizes = [4096, 128], strides = [1, 1]} : vector<4096x256xf32> to vector<4096x128xf32>
    %slice3A_36 = vector.extract_strided_slice %add3A_32 {offsets = [0, 128], sizes = [4096, 128], strides = [1, 1]} : vector<4096x256xf32> to vector<4096x128xf32>
    %mul3A_37 = arith.mulf %slice3A_35, %tanh3A_34 : vector<4096x128xf32>
    %tanh3A_38 = math.tanh %mul3A_37 : vector<4096x128xf32>
    %mul3A_39 = arith.mulf %slice3A_36, %tanh3A_38 : vector<4096x128xf32>
    %slice3A_40 = vector.extract_strided_slice %mul3A_39 {offsets = [0, 0], sizes = [512, 128], strides = [1, 1]} : vector<4096x128xf32> to vector<512x128xf32>
    %slice3A_41 = vector.extract_strided_slice %mul3A_39 {offsets = [512, 0], sizes = [512, 128], strides = [1, 1]} : vector<4096x128xf32> to vector<512x128xf32>
    %add3A_42 = arith.addf %slice3A_40, %slice3A_41 : vector<512x128xf32>
    %slice3A_43 = vector.extract_strided_slice %mul3A_39 {offsets = [1024, 0], sizes = [512, 128], strides = [1, 1]} : vector<4096x128xf32> to vector<512x128xf32>
    %add3A_44 = arith.addf %add3A_42, %slice3A_43 : vector<512x128xf32>
    %slice3A_45 = vector.extract_strided_slice %mul3A_39 {offsets = [1536, 0], sizes = [512, 128], strides = [1, 1]} : vector<4096x128xf32> to vector<512x128xf32>
    %add3A_46 = arith.addf %add3A_44, %slice3A_45 : vector<512x128xf32>
    %slice3A_47 = vector.extract_strided_slice %mul3A_39 {offsets = [2048, 0], sizes = [512, 128], strides = [1, 1]} : vector<4096x128xf32> to vector<512x128xf32>
    %add3A_48 = arith.addf %add3A_46, %slice3A_47 : vector<512x128xf32>
    %slice3A_49 = vector.extract_strided_slice %mul3A_39 {offsets = [2560, 0], sizes = [512, 128], strides = [1, 1]} : vector<4096x128xf32> to vector<512x128xf32>
    %add3A_50 = arith.addf %add3A_48, %slice3A_49 : vector<512x128xf32>
    %slice3A_51 = vector.extract_strided_slice %mul3A_39 {offsets = [3072, 0], sizes = [512, 128], strides = [1, 1]} : vector<4096x128xf32> to vector<512x128xf32>
    %add3A_52 = arith.addf %add3A_50, %slice3A_51 : vector<512x128xf32>
    %slice3A_53 = vector.extract_strided_slice %mul3A_39 {offsets = [3584, 0], sizes = [512, 128], strides = [1, 1]} : vector<4096x128xf32> to vector<512x128xf32>
    %add3A_54 = arith.addf %add3A_52, %slice3A_53 : vector<512x128xf32>
    %dot_general3A_55 = arith.constant dense<0.000000e+00> : vector<512x384xf32>
    %dot_general3A_56 = tpu.matmul %get3A_4, %get3A_10, %dot_general3A_55 {dimension_numbers = #tpu.dot_dimension_numbers<[1], [0], [0], [1], [0, 0, 1, 1], [], []>, transpose_lhs_hint = false} : vector<512x128xf32>, vector<128x384xf32>, vector<512x384xf32> -> vector<512x384xf32>
    %add3A_57 = vector.broadcast %get3A_13 : vector<1x384xf32> to vector<512x384xf32>
    %add3A_58 = arith.addf %dot_general3A_56, %add3A_57 : vector<512x384xf32>
    %dot_general3A_59 = arith.constant dense<0.000000e+00> : vector<512x384xf32>
    %dot_general3A_60 = tpu.matmul %add3A_54, %get3A_16, %dot_general3A_59 {dimension_numbers = #tpu.dot_dimension_numbers<[1], [0], [0], [1], [0, 0, 1, 1], [], []>, transpose_lhs_hint = false} : vector<512x128xf32>, vector<128x384xf32>, vector<512x384xf32> -> vector<512x384xf32>
    %add3A_61 = arith.addf %add3A_58, %dot_general3A_60 : vector<512x384xf32>
    %slice3A_62 = vector.extract_strided_slice %add3A_61 {offsets = [0, 0], sizes = [512, 256], strides = [1, 1]} : vector<512x384xf32> to vector<512x256xf32>
    %tanh3A_63 = math.tanh %slice3A_62 : vector<512x256xf32>
    %mul3A_64 = arith.constant 5.000000e-01 : f32
    %mul3A_65 = vector.broadcast %mul3A_64 : f32 to vector<512x256xf32>
    %mul3A_66 = arith.mulf %mul3A_65, %tanh3A_63 : vector<512x256xf32>
    %add3A_67 = arith.constant 5.000000e-01 : f32
    %add3A_68 = vector.broadcast %add3A_67 : f32 to vector<512x256xf32>
    %add3A_69 = arith.addf %mul3A_66, %add3A_68 : vector<512x256xf32>
    %slice3A_70 = vector.extract_strided_slice %add3A_61 {offsets = [0, 256], sizes = [512, 128], strides = [1, 1]} : vector<512x384xf32> to vector<512x128xf32>
    %tanh3A_71 = math.tanh %slice3A_70 : vector<512x128xf32>
    %slice3A_72 = vector.extract_strided_slice %add3A_69 {offsets = [0, 0], sizes = [512, 128], strides = [1, 1]} : vector<512x256xf32> to vector<512x128xf32>
    %slice3A_73 = vector.extract_strided_slice %add3A_69 {offsets = [0, 128], sizes = [512, 128], strides = [1, 1]} : vector<512x256xf32> to vector<512x128xf32>
    %dot_general3A_74 = arith.constant dense<0.000000e+00> : vector<512x128xf32>
    %dot_general3A_75 = tpu.matmul %get3A_4, %get3A_19, %dot_general3A_74 {dimension_numbers = #tpu.dot_dimension_numbers<[1], [0], [0], [1], [0, 0, 1, 1], [], []>, transpose_lhs_hint = false} : vector<512x128xf32>, vector<128x128xf32>, vector<512x128xf32> -> vector<512x128xf32>
    %add3A_76 = vector.broadcast %get3A_22 : vector<1x128xf32> to vector<512x128xf32>
    %add3A_77 = arith.addf %dot_general3A_75, %add3A_76 : vector<512x128xf32>
    %dot_general3A_78 = arith.constant dense<0.000000e+00> : vector<4096x128xf32>
    %dot_general3A_79 = tpu.matmul %mul3A_39, %get3A_25, %dot_general3A_78 {dimension_numbers = #tpu.dot_dimension_numbers<[1], [0], [0], [1], [0, 0, 1, 1], [], []>, transpose_lhs_hint = false} : vector<4096x128xf32>, vector<128x128xf32>, vector<4096x128xf32> -> vector<4096x128xf32>
    %slice3A_80 = vector.extract_strided_slice %dot_general3A_79 {offsets = [0, 0], sizes = [512, 128], strides = [1, 1]} : vector<4096x128xf32> to vector<512x128xf32>
    %add3A_81 = arith.addf %add3A_77, %slice3A_80 : vector<512x128xf32>
    %tanh3A_82 = math.tanh %add3A_81 : vector<512x128xf32>
    %mul3A_83 = arith.constant 5.000000e-01 : f32
    %mul3A_84 = vector.broadcast %mul3A_83 : f32 to vector<512x128xf32>
    %mul3A_85 = arith.mulf %mul3A_84, %tanh3A_82 : vector<512x128xf32>
    %add3A_86 = arith.constant 5.000000e-01 : f32
    %add3A_87 = vector.broadcast %add3A_86 : f32 to vector<512x128xf32>
    %add3A_88 = arith.addf %mul3A_85, %add3A_87 : vector<512x128xf32>
    %slice3A_89 = vector.extract_strided_slice %mul3A_37 {offsets = [0, 0], sizes = [512, 128], strides = [1, 1]} : vector<4096x128xf32> to vector<512x128xf32>
    %mul3A_90 = arith.mulf %add3A_88, %slice3A_89 : vector<512x128xf32>
    %slice3A_91 = vector.extract_strided_slice %dot_general3A_79 {offsets = [512, 0], sizes = [512, 128], strides = [1, 1]} : vector<4096x128xf32> to vector<512x128xf32>
    %add3A_92 = arith.addf %add3A_77, %slice3A_91 : vector<512x128xf32>
    %tanh3A_93 = math.tanh %add3A_92 : vector<512x128xf32>
    %mul3A_94 = arith.constant 5.000000e-01 : f32
    %mul3A_95 = vector.broadcast %mul3A_94 : f32 to vector<512x128xf32>
    %mul3A_96 = arith.mulf %mul3A_95, %tanh3A_93 : vector<512x128xf32>
    %add3A_97 = arith.constant 5.000000e-01 : f32
    %add3A_98 = vector.broadcast %add3A_97 : f32 to vector<512x128xf32>
    %add3A_99 = arith.addf %mul3A_96, %add3A_98 : vector<512x128xf32>
    %slice3A_100 = vector.extract_strided_slice %mul3A_37 {offsets = [512, 0], sizes = [512, 128], strides = [1, 1]} : vector<4096x128xf32> to vector<512x128xf32>
    %mul3A_101 = arith.mulf %add3A_99, %slice3A_100 : vector<512x128xf32>
    %add3A_102 = arith.addf %mul3A_90, %mul3A_101 : vector<512x128xf32>
    %slice3A_103 = vector.extract_strided_slice %dot_general3A_79 {offsets = [1024, 0], sizes = [512, 128], strides = [1, 1]} : vector<4096x128xf32> to vector<512x128xf32>
    %add3A_104 = arith.addf %add3A_77, %slice3A_103 : vector<512x128xf32>
    %tanh3A_105 = math.tanh %add3A_104 : vector<512x128xf32>
    %mul3A_106 = arith.constant 5.000000e-01 : f32
    %mul3A_107 = vector.broadcast %mul3A_106 : f32 to vector<512x128xf32>
    %mul3A_108 = arith.mulf %mul3A_107, %tanh3A_105 : vector<512x128xf32>
    %add3A_109 = arith.constant 5.000000e-01 : f32
    %add3A_110 = vector.broadcast %add3A_109 : f32 to vector<512x128xf32>
    %add3A_111 = arith.addf %mul3A_108, %add3A_110 : vector<512x128xf32>
    %slice3A_112 = vector.extract_strided_slice %mul3A_37 {offsets = [1024, 0], sizes = [512, 128], strides = [1, 1]} : vector<4096x128xf32> to vector<512x128xf32>
    %mul3A_113 = arith.mulf %add3A_111, %slice3A_112 : vector<512x128xf32>
    %add3A_114 = arith.addf %add3A_102, %mul3A_113 : vector<512x128xf32>
    %slice3A_115 = vector.extract_strided_slice %dot_general3A_79 {offsets = [1536, 0], sizes = [512, 128], strides = [1, 1]} : vector<4096x128xf32> to vector<512x128xf32>
    %add3A_116 = arith.addf %add3A_77, %slice3A_115 : vector<512x128xf32>
    %tanh3A_117 = math.tanh %add3A_116 : vector<512x128xf32>
    %mul3A_118 = arith.constant 5.000000e-01 : f32
    %mul3A_119 = vector.broadcast %mul3A_118 : f32 to vector<512x128xf32>
    %mul3A_120 = arith.mulf %mul3A_119, %tanh3A_117 : vector<512x128xf32>
    %add3A_121 = arith.constant 5.000000e-01 : f32
    %add3A_122 = vector.broadcast %add3A_121 : f32 to vector<512x128xf32>
    %add3A_123 = arith.addf %mul3A_120, %add3A_122 : vector<512x128xf32>
    %slice3A_124 = vector.extract_strided_slice %mul3A_37 {offsets = [1536, 0], sizes = [512, 128], strides = [1, 1]} : vector<4096x128xf32> to vector<512x128xf32>
    %mul3A_125 = arith.mulf %add3A_123, %slice3A_124 : vector<512x128xf32>
    %add3A_126 = arith.addf %add3A_114, %mul3A_125 : vector<512x128xf32>
    %slice3A_127 = vector.extract_strided_slice %dot_general3A_79 {offsets = [2048, 0], sizes = [512, 128], strides = [1, 1]} : vector<4096x128xf32> to vector<512x128xf32>
    %add3A_128 = arith.addf %add3A_77, %slice3A_127 : vector<512x128xf32>
    %tanh3A_129 = math.tanh %add3A_128 : vector<512x128xf32>
    %mul3A_130 = arith.constant 5.000000e-01 : f32
    %mul3A_131 = vector.broadcast %mul3A_130 : f32 to vector<512x128xf32>
    %mul3A_132 = arith.mulf %mul3A_131, %tanh3A_129 : vector<512x128xf32>
    %add3A_133 = arith.constant 5.000000e-01 : f32
    %add3A_134 = vector.broadcast %add3A_133 : f32 to vector<512x128xf32>
    %add3A_135 = arith.addf %mul3A_132, %add3A_134 : vector<512x128xf32>
    %slice3A_136 = vector.extract_strided_slice %mul3A_37 {offsets = [2048, 0], sizes = [512, 128], strides = [1, 1]} : vector<4096x128xf32> to vector<512x128xf32>
    %mul3A_137 = arith.mulf %add3A_135, %slice3A_136 : vector<512x128xf32>
    %add3A_138 = arith.addf %add3A_126, %mul3A_137 : vector<512x128xf32>
    %slice3A_139 = vector.extract_strided_slice %dot_general3A_79 {offsets = [2560, 0], sizes = [512, 128], strides = [1, 1]} : vector<4096x128xf32> to vector<512x128xf32>
    %add3A_140 = arith.addf %add3A_77, %slice3A_139 : vector<512x128xf32>
    %tanh3A_141 = math.tanh %add3A_140 : vector<512x128xf32>
    %mul3A_142 = arith.constant 5.000000e-01 : f32
    %mul3A_143 = vector.broadcast %mul3A_142 : f32 to vector<512x128xf32>
    %mul3A_144 = arith.mulf %mul3A_143, %tanh3A_141 : vector<512x128xf32>
    %add3A_145 = arith.constant 5.000000e-01 : f32
    %add3A_146 = vector.broadcast %add3A_145 : f32 to vector<512x128xf32>
    %add3A_147 = arith.addf %mul3A_144, %add3A_146 : vector<512x128xf32>
    %slice3A_148 = vector.extract_strided_slice %mul3A_37 {offsets = [2560, 0], sizes = [512, 128], strides = [1, 1]} : vector<4096x128xf32> to vector<512x128xf32>
    %mul3A_149 = arith.mulf %add3A_147, %slice3A_148 : vector<512x128xf32>
    %add3A_150 = arith.addf %add3A_138, %mul3A_149 : vector<512x128xf32>
    %slice3A_151 = vector.extract_strided_slice %dot_general3A_79 {offsets = [3072, 0], sizes = [512, 128], strides = [1, 1]} : vector<4096x128xf32> to vector<512x128xf32>
    %add3A_152 = arith.addf %add3A_77, %slice3A_151 : vector<512x128xf32>
    %tanh3A_153 = math.tanh %add3A_152 : vector<512x128xf32>
    %mul3A_154 = arith.constant 5.000000e-01 : f32
    %mul3A_155 = vector.broadcast %mul3A_154 : f32 to vector<512x128xf32>
    %mul3A_156 = arith.mulf %mul3A_155, %tanh3A_153 : vector<512x128xf32>
    %add3A_157 = arith.constant 5.000000e-01 : f32
    %add3A_158 = vector.broadcast %add3A_157 : f32 to vector<512x128xf32>
    %add3A_159 = arith.addf %mul3A_156, %add3A_158 : vector<512x128xf32>
    %slice3A_160 = vector.extract_strided_slice %mul3A_37 {offsets = [3072, 0], sizes = [512, 128], strides = [1, 1]} : vector<4096x128xf32> to vector<512x128xf32>
    %mul3A_161 = arith.mulf %add3A_159, %slice3A_160 : vector<512x128xf32>
    %add3A_162 = arith.addf %add3A_150, %mul3A_161 : vector<512x128xf32>
    %slice3A_163 = vector.extract_strided_slice %dot_general3A_79 {offsets = [3584, 0], sizes = [512, 128], strides = [1, 1]} : vector<4096x128xf32> to vector<512x128xf32>
    %add3A_164 = arith.addf %add3A_77, %slice3A_163 : vector<512x128xf32>
    %tanh3A_165 = math.tanh %add3A_164 : vector<512x128xf32>
    %mul3A_166 = arith.constant 5.000000e-01 : f32
    %mul3A_167 = vector.broadcast %mul3A_166 : f32 to vector<512x128xf32>
    %mul3A_168 = arith.mulf %mul3A_167, %tanh3A_165 : vector<512x128xf32>
    %add3A_169 = arith.constant 5.000000e-01 : f32
    %add3A_170 = vector.broadcast %add3A_169 : f32 to vector<512x128xf32>
    %add3A_171 = arith.addf %mul3A_168, %add3A_170 : vector<512x128xf32>
    %slice3A_172 = vector.extract_strided_slice %mul3A_37 {offsets = [3584, 0], sizes = [512, 128], strides = [1, 1]} : vector<4096x128xf32> to vector<512x128xf32>
    %mul3A_173 = arith.mulf %add3A_171, %slice3A_172 : vector<512x128xf32>
    %add3A_174 = arith.addf %add3A_162, %mul3A_173 : vector<512x128xf32>
    %mul3A_175 = arith.mulf %slice3A_72, %tanh3A_71 : vector<512x128xf32>
    %add3A_176 = arith.addf %mul3A_175, %add3A_174 : vector<512x128xf32>
    %tanh3A_177 = math.tanh %add3A_176 : vector<512x128xf32>
    %mul3A_178 = arith.mulf %slice3A_73, %tanh3A_177 : vector<512x128xf32>
    %slice3A_179 = vector.extract_strided_slice %mul3A_178 {offsets = [0, 0], sizes = [64, 128], strides = [1, 1]} : vector<512x128xf32> to vector<64x128xf32>
    %slice3A_180 = vector.extract_strided_slice %mul3A_178 {offsets = [64, 0], sizes = [64, 128], strides = [1, 1]} : vector<512x128xf32> to vector<64x128xf32>
    %add3A_181 = arith.addf %slice3A_179, %slice3A_180 : vector<64x128xf32>
    %slice3A_182 = vector.extract_strided_slice %mul3A_178 {offsets = [128, 0], sizes = [64, 128], strides = [1, 1]} : vector<512x128xf32> to vector<64x128xf32>
    %add3A_183 = arith.addf %add3A_181, %slice3A_182 : vector<64x128xf32>
    %slice3A_184 = vector.extract_strided_slice %mul3A_178 {offsets = [192, 0], sizes = [64, 128], strides = [1, 1]} : vector<512x128xf32> to vector<64x128xf32>
    %add3A_185 = arith.addf %add3A_183, %slice3A_184 : vector<64x128xf32>
    %slice3A_186 = vector.extract_strided_slice %mul3A_178 {offsets = [256, 0], sizes = [64, 128], strides = [1, 1]} : vector<512x128xf32> to vector<64x128xf32>
    %add3A_187 = arith.addf %add3A_185, %slice3A_186 : vector<64x128xf32>
    %slice3A_188 = vector.extract_strided_slice %mul3A_178 {offsets = [320, 0], sizes = [64, 128], strides = [1, 1]} : vector<512x128xf32> to vector<64x128xf32>
    %add3A_189 = arith.addf %add3A_187, %slice3A_188 : vector<64x128xf32>
    %slice3A_190 = vector.extract_strided_slice %mul3A_178 {offsets = [384, 0], sizes = [64, 128], strides = [1, 1]} : vector<512x128xf32> to vector<64x128xf32>
    %add3A_191 = arith.addf %add3A_189, %slice3A_190 : vector<64x128xf32>
    %slice3A_192 = vector.extract_strided_slice %mul3A_178 {offsets = [448, 0], sizes = [64, 128], strides = [1, 1]} : vector<512x128xf32> to vector<64x128xf32>
    %add3A_193 = arith.addf %add3A_191, %slice3A_192 : vector<64x128xf32>
    %dot_general3A_194 = arith.constant dense<0.000000e+00> : vector<64x384xf32>
    %dot_general3A_195 = tpu.matmul %get3A_7, %get3A_10, %dot_general3A_194 {dimension_numbers = #tpu.dot_dimension_numbers<[1], [0], [0], [1], [0, 0, 1, 1], [], []>, transpose_lhs_hint = false} : vector<64x128xf32>, vector<128x384xf32>, vector<64x384xf32> -> vector<64x384xf32>
    %add3A_196 = vector.broadcast %get3A_13 : vector<1x384xf32> to vector<64x384xf32>
    %add3A_197 = arith.addf %dot_general3A_195, %add3A_196 : vector<64x384xf32>
    %dot_general3A_198 = arith.constant dense<0.000000e+00> : vector<64x384xf32>
    %dot_general3A_199 = tpu.matmul %add3A_193, %get3A_16, %dot_general3A_198 {dimension_numbers = #tpu.dot_dimension_numbers<[1], [0], [0], [1], [0, 0, 1, 1], [], []>, transpose_lhs_hint = false} : vector<64x128xf32>, vector<128x384xf32>, vector<64x384xf32> -> vector<64x384xf32>
    %add3A_200 = arith.addf %add3A_197, %dot_general3A_199 : vector<64x384xf32>
    %slice3A_201 = vector.extract_strided_slice %add3A_200 {offsets = [0, 0], sizes = [64, 256], strides = [1, 1]} : vector<64x384xf32> to vector<64x256xf32>
    %tanh3A_202 = math.tanh %slice3A_201 : vector<64x256xf32>
    %mul3A_203 = arith.constant 5.000000e-01 : f32
    %mul3A_204 = vector.broadcast %mul3A_203 : f32 to vector<64x256xf32>
    %mul3A_205 = arith.mulf %mul3A_204, %tanh3A_202 : vector<64x256xf32>
    %add3A_206 = arith.constant 5.000000e-01 : f32
    %add3A_207 = vector.broadcast %add3A_206 : f32 to vector<64x256xf32>
    %add3A_208 = arith.addf %mul3A_205, %add3A_207 : vector<64x256xf32>
    %slice3A_209 = vector.extract_strided_slice %add3A_200 {offsets = [0, 256], sizes = [64, 128], strides = [1, 1]} : vector<64x384xf32> to vector<64x128xf32>
    %tanh3A_210 = math.tanh %slice3A_209 : vector<64x128xf32>
    %slice3A_211 = vector.extract_strided_slice %add3A_208 {offsets = [0, 0], sizes = [64, 128], strides = [1, 1]} : vector<64x256xf32> to vector<64x128xf32>
    %slice3A_212 = vector.extract_strided_slice %add3A_208 {offsets = [0, 128], sizes = [64, 128], strides = [1, 1]} : vector<64x256xf32> to vector<64x128xf32>
    %dot_general3A_213 = arith.constant dense<0.000000e+00> : vector<64x128xf32>
    %dot_general3A_214 = tpu.matmul %get3A_7, %get3A_19, %dot_general3A_213 {dimension_numbers = #tpu.dot_dimension_numbers<[1], [0], [0], [1], [0, 0, 1, 1], [], []>, transpose_lhs_hint = false} : vector<64x128xf32>, vector<128x128xf32>, vector<64x128xf32> -> vector<64x128xf32>
    %add3A_215 = vector.broadcast %get3A_22 : vector<1x128xf32> to vector<64x128xf32>
    %add3A_216 = arith.addf %dot_general3A_214, %add3A_215 : vector<64x128xf32>
    %dot_general3A_217 = arith.constant dense<0.000000e+00> : vector<512x128xf32>
    %dot_general3A_218 = tpu.matmul %mul3A_178, %get3A_25, %dot_general3A_217 {dimension_numbers = #tpu.dot_dimension_numbers<[1], [0], [0], [1], [0, 0, 1, 1], [], []>, transpose_lhs_hint = false} : vector<512x128xf32>, vector<128x128xf32>, vector<512x128xf32> -> vector<512x128xf32>
    %slice3A_219 = vector.extract_strided_slice %dot_general3A_218 {offsets = [0, 0], sizes = [64, 128], strides = [1, 1]} : vector<512x128xf32> to vector<64x128xf32>
    %add3A_220 = arith.addf %add3A_216, %slice3A_219 : vector<64x128xf32>
    %tanh3A_221 = math.tanh %add3A_220 : vector<64x128xf32>
    %mul3A_222 = arith.constant 5.000000e-01 : f32
    %mul3A_223 = vector.broadcast %mul3A_222 : f32 to vector<64x128xf32>
    %mul3A_224 = arith.mulf %mul3A_223, %tanh3A_221 : vector<64x128xf32>
    %add3A_225 = arith.constant 5.000000e-01 : f32
    %add3A_226 = vector.broadcast %add3A_225 : f32 to vector<64x128xf32>
    %add3A_227 = arith.addf %mul3A_224, %add3A_226 : vector<64x128xf32>
    %slice3A_228 = vector.extract_strided_slice %add3A_176 {offsets = [0, 0], sizes = [64, 128], strides = [1, 1]} : vector<512x128xf32> to vector<64x128xf32>
    %mul3A_229 = arith.mulf %add3A_227, %slice3A_228 : vector<64x128xf32>
    %slice3A_230 = vector.extract_strided_slice %dot_general3A_218 {offsets = [64, 0], sizes = [64, 128], strides = [1, 1]} : vector<512x128xf32> to vector<64x128xf32>
    %add3A_231 = arith.addf %add3A_216, %slice3A_230 : vector<64x128xf32>
    %tanh3A_232 = math.tanh %add3A_231 : vector<64x128xf32>
    %mul3A_233 = arith.constant 5.000000e-01 : f32
    %mul3A_234 = vector.broadcast %mul3A_233 : f32 to vector<64x128xf32>
    %mul3A_235 = arith.mulf %mul3A_234, %tanh3A_232 : vector<64x128xf32>
    %add3A_236 = arith.constant 5.000000e-01 : f32
    %add3A_237 = vector.broadcast %add3A_236 : f32 to vector<64x128xf32>
    %add3A_238 = arith.addf %mul3A_235, %add3A_237 : vector<64x128xf32>
    %slice3A_239 = vector.extract_strided_slice %add3A_176 {offsets = [64, 0], sizes = [64, 128], strides = [1, 1]} : vector<512x128xf32> to vector<64x128xf32>
    %mul3A_240 = arith.mulf %add3A_238, %slice3A_239 : vector<64x128xf32>
    %add3A_241 = arith.addf %mul3A_229, %mul3A_240 : vector<64x128xf32>
    %slice3A_242 = vector.extract_strided_slice %dot_general3A_218 {offsets = [128, 0], sizes = [64, 128], strides = [1, 1]} : vector<512x128xf32> to vector<64x128xf32>
    %add3A_243 = arith.addf %add3A_216, %slice3A_242 : vector<64x128xf32>
    %tanh3A_244 = math.tanh %add3A_243 : vector<64x128xf32>
    %mul3A_245 = arith.constant 5.000000e-01 : f32
    %mul3A_246 = vector.broadcast %mul3A_245 : f32 to vector<64x128xf32>
    %mul3A_247 = arith.mulf %mul3A_246, %tanh3A_244 : vector<64x128xf32>
    %add3A_248 = arith.constant 5.000000e-01 : f32
    %add3A_249 = vector.broadcast %add3A_248 : f32 to vector<64x128xf32>
    %add3A_250 = arith.addf %mul3A_247, %add3A_249 : vector<64x128xf32>
    %slice3A_251 = vector.extract_strided_slice %add3A_176 {offsets = [128, 0], sizes = [64, 128], strides = [1, 1]} : vector<512x128xf32> to vector<64x128xf32>
    %mul3A_252 = arith.mulf %add3A_250, %slice3A_251 : vector<64x128xf32>
    %add3A_253 = arith.addf %add3A_241, %mul3A_252 : vector<64x128xf32>
    %slice3A_254 = vector.extract_strided_slice %dot_general3A_218 {offsets = [192, 0], sizes = [64, 128], strides = [1, 1]} : vector<512x128xf32> to vector<64x128xf32>
    %add3A_255 = arith.addf %add3A_216, %slice3A_254 : vector<64x128xf32>
    %tanh3A_256 = math.tanh %add3A_255 : vector<64x128xf32>
    %mul3A_257 = arith.constant 5.000000e-01 : f32
    %mul3A_258 = vector.broadcast %mul3A_257 : f32 to vector<64x128xf32>
    %mul3A_259 = arith.mulf %mul3A_258, %tanh3A_256 : vector<64x128xf32>
    %add3A_260 = arith.constant 5.000000e-01 : f32
    %add3A_261 = vector.broadcast %add3A_260 : f32 to vector<64x128xf32>
    %add3A_262 = arith.addf %mul3A_259, %add3A_261 : vector<64x128xf32>
    %slice3A_263 = vector.extract_strided_slice %add3A_176 {offsets = [192, 0], sizes = [64, 128], strides = [1, 1]} : vector<512x128xf32> to vector<64x128xf32>
    %mul3A_264 = arith.mulf %add3A_262, %slice3A_263 : vector<64x128xf32>
    %add3A_265 = arith.addf %add3A_253, %mul3A_264 : vector<64x128xf32>
    %slice3A_266 = vector.extract_strided_slice %dot_general3A_218 {offsets = [256, 0], sizes = [64, 128], strides = [1, 1]} : vector<512x128xf32> to vector<64x128xf32>
    %add3A_267 = arith.addf %add3A_216, %slice3A_266 : vector<64x128xf32>
    %tanh3A_268 = math.tanh %add3A_267 : vector<64x128xf32>
    %mul3A_269 = arith.constant 5.000000e-01 : f32
    %mul3A_270 = vector.broadcast %mul3A_269 : f32 to vector<64x128xf32>
    %mul3A_271 = arith.mulf %mul3A_270, %tanh3A_268 : vector<64x128xf32>
    %add3A_272 = arith.constant 5.000000e-01 : f32
    %add3A_273 = vector.broadcast %add3A_272 : f32 to vector<64x128xf32>
    %add3A_274 = arith.addf %mul3A_271, %add3A_273 : vector<64x128xf32>
    %slice3A_275 = vector.extract_strided_slice %add3A_176 {offsets = [256, 0], sizes = [64, 128], strides = [1, 1]} : vector<512x128xf32> to vector<64x128xf32>
    %mul3A_276 = arith.mulf %add3A_274, %slice3A_275 : vector<64x128xf32>
    %add3A_277 = arith.addf %add3A_265, %mul3A_276 : vector<64x128xf32>
    %slice3A_278 = vector.extract_strided_slice %dot_general3A_218 {offsets = [320, 0], sizes = [64, 128], strides = [1, 1]} : vector<512x128xf32> to vector<64x128xf32>
    %add3A_279 = arith.addf %add3A_216, %slice3A_278 : vector<64x128xf32>
    %tanh3A_280 = math.tanh %add3A_279 : vector<64x128xf32>
    %mul3A_281 = arith.constant 5.000000e-01 : f32
    %mul3A_282 = vector.broadcast %mul3A_281 : f32 to vector<64x128xf32>
    %mul3A_283 = arith.mulf %mul3A_282, %tanh3A_280 : vector<64x128xf32>
    %add3A_284 = arith.constant 5.000000e-01 : f32
    %add3A_285 = vector.broadcast %add3A_284 : f32 to vector<64x128xf32>
    %add3A_286 = arith.addf %mul3A_283, %add3A_285 : vector<64x128xf32>
    %slice3A_287 = vector.extract_strided_slice %add3A_176 {offsets = [320, 0], sizes = [64, 128], strides = [1, 1]} : vector<512x128xf32> to vector<64x128xf32>
    %mul3A_288 = arith.mulf %add3A_286, %slice3A_287 : vector<64x128xf32>
    %add3A_289 = arith.addf %add3A_277, %mul3A_288 : vector<64x128xf32>
    %slice3A_290 = vector.extract_strided_slice %dot_general3A_218 {offsets = [384, 0], sizes = [64, 128], strides = [1, 1]} : vector<512x128xf32> to vector<64x128xf32>
    %add3A_291 = arith.addf %add3A_216, %slice3A_290 : vector<64x128xf32>
    %tanh3A_292 = math.tanh %add3A_291 : vector<64x128xf32>
    %mul3A_293 = arith.constant 5.000000e-01 : f32
    %mul3A_294 = vector.broadcast %mul3A_293 : f32 to vector<64x128xf32>
    %mul3A_295 = arith.mulf %mul3A_294, %tanh3A_292 : vector<64x128xf32>
    %add3A_296 = arith.constant 5.000000e-01 : f32
    %add3A_297 = vector.broadcast %add3A_296 : f32 to vector<64x128xf32>
    %add3A_298 = arith.addf %mul3A_295, %add3A_297 : vector<64x128xf32>
    %slice3A_299 = vector.extract_strided_slice %add3A_176 {offsets = [384, 0], sizes = [64, 128], strides = [1, 1]} : vector<512x128xf32> to vector<64x128xf32>
    %mul3A_300 = arith.mulf %add3A_298, %slice3A_299 : vector<64x128xf32>
    %add3A_301 = arith.addf %add3A_289, %mul3A_300 : vector<64x128xf32>
    %slice3A_302 = vector.extract_strided_slice %dot_general3A_218 {offsets = [448, 0], sizes = [64, 128], strides = [1, 1]} : vector<512x128xf32> to vector<64x128xf32>
    %add3A_303 = arith.addf %add3A_216, %slice3A_302 : vector<64x128xf32>
    %tanh3A_304 = math.tanh %add3A_303 : vector<64x128xf32>
    %mul3A_305 = arith.constant 5.000000e-01 : f32
    %mul3A_306 = vector.broadcast %mul3A_305 : f32 to vector<64x128xf32>
    %mul3A_307 = arith.mulf %mul3A_306, %tanh3A_304 : vector<64x128xf32>
    %add3A_308 = arith.constant 5.000000e-01 : f32
    %add3A_309 = vector.broadcast %add3A_308 : f32 to vector<64x128xf32>
    %add3A_310 = arith.addf %mul3A_307, %add3A_309 : vector<64x128xf32>
    %slice3A_311 = vector.extract_strided_slice %add3A_176 {offsets = [448, 0], sizes = [64, 128], strides = [1, 1]} : vector<512x128xf32> to vector<64x128xf32>
    %mul3A_312 = arith.mulf %add3A_310, %slice3A_311 : vector<64x128xf32>
    %add3A_313 = arith.addf %add3A_301, %mul3A_312 : vector<64x128xf32>
    %mul3A_314 = arith.mulf %slice3A_211, %tanh3A_210 : vector<64x128xf32>
    %add3A_315 = arith.addf %mul3A_314, %add3A_313 : vector<64x128xf32>
    %tanh3A_316 = math.tanh %add3A_315 : vector<64x128xf32>
    %mul3A_317 = arith.mulf %slice3A_212, %tanh3A_316 : vector<64x128xf32>
    %swap3A = arith.constant 0 : index
    %swap3A_318 = arith.constant 0 : index
    %swap3A_319 = vector.load %arg10[%swap3A, %swap3A_318] : memref<64x128xf32, #tpu.memory_space<vmem>>, vector<64x128xf32>
    tpu.vector_store %arg10[%swap3A, %swap3A_318], %mul3A_317 {strides = array<i32>} : memref<64x128xf32, #tpu.memory_space<vmem>>, vector<64x128xf32>,
    return
  }
  func.func @transform_0(%arg0: i32) -> (i32, i32) {
    %c0_i32 = arith.constant 0 : i32
    %c0_i32_0 = arith.constant 0 : i32
    return %arg0, %c0_i32 : i32, i32
  }
  func.func @transform_1(%arg0: i32) -> (i32, i32) {
    %add3A = arith.constant 256 : i32
    %add3A_0 = arith.addi %add3A, %arg0 : i32
    %c0_i32 = arith.constant 0 : i32
    %c0_i32_1 = arith.constant 0 : i32
    return %add3A_0, %c0_i32 : i32, i32
  }
  func.func @transform_2(%arg0: i32) -> (i32, i32) {
    %add3A = arith.constant 2304 : i32
    %add3A_0 = arith.addi %add3A, %arg0 : i32
    %c0_i32 = arith.constant 0 : i32
    %c0_i32_1 = arith.constant 0 : i32
    return %add3A_0, %c0_i32 : i32, i32
  }
  func.func @transform_3(%arg0: i32) -> (i32, i32) {
    %c0_i32 = arith.constant 0 : i32
    %c0_i32_0 = arith.constant 0 : i32
    %c0_i32_1 = arith.constant 0 : i32
    return %c0_i32, %c0_i32_0 : i32, i32
  }
  func.func @transform_4(%arg0: i32) -> (i32, i32) {
    %c0_i32 = arith.constant 0 : i32
    %c0_i32_0 = arith.constant 0 : i32
    %c0_i32_1 = arith.constant 0 : i32
    return %c0_i32, %c0_i32_0 : i32, i32
  }
  func.func @transform_5(%arg0: i32) -> (i32, i32) {
    %c0_i32 = arith.constant 0 : i32
    %c0_i32_0 = arith.constant 0 : i32
    %c0_i32_1 = arith.constant 0 : i32
    return %c0_i32, %c0_i32_0 : i32, i32
  }
  func.func @transform_6(%arg0: i32) -> (i32, i32) {
    %c0_i32 = arith.constant 0 : i32
    %c0_i32_0 = arith.constant 0 : i32
    %c0_i32_1 = arith.constant 0 : i32
    return %c0_i32, %c0_i32_0 : i32, i32
  }
  func.func @transform_7(%arg0: i32) -> (i32, i32) {
    %c0_i32 = arith.constant 0 : i32
    %c0_i32_0 = arith.constant 0 : i32
    %c0_i32_1 = arith.constant 0 : i32
    return %c0_i32, %c0_i32_0 : i32, i32
  }
  func.func @transform_8(%arg0: i32) -> (i32, i32) {
    %c0_i32 = arith.constant 0 : i32
    %c0_i32_0 = arith.constant 0 : i32
    %c0_i32_1 = arith.constant 0 : i32
    return %c0_i32, %c0_i32_0 : i32, i32
  }
  func.func @transform_9(%arg0: i32) -> (i32, i32) {
    %c0_i32 = arith.constant 0 : i32
    %c0_i32_0 = arith.constant 0 : i32
    return %arg0, %c0_i32 : i32, i32
  }
}

module attributes {stable_mosaic.version = 14 : i64} {
  func.func @_fuse_body(%arg0: i32, %arg1: memref<512x128xf32, #tpu.memory_space<vmem>>, %arg2: memref<512x128xf32, #tpu.memory_space<vmem>>, %arg3: memref<512x128xf32, #tpu.memory_space<vmem>>, %arg4: memref<128x64xf32, #tpu.memory_space<vmem>>, %arg5: memref<1x64xf32, #tpu.memory_space<vmem>>, %arg6: memref<64x6xf32, #tpu.memory_space<vmem>>, %arg7: memref<1x6xf32, #tpu.memory_space<vmem>>, %arg8: memref<512x6xf32, #tpu.memory_space<vmem>>) attributes {dimension_semantics = [#tpu.dimension_semantics<parallel>], iteration_bounds = array<i64: 4>, scalar_prefetch = 0 : i64, scratch_operands = 0 : i64, tpu.core_type = #tpu.core_type<tc>, window_params = [{transform_indices = @transform_0, window_bounds = array<i64: 512, 128>}, {transform_indices = @transform_1, window_bounds = array<i64: 512, 128>}, {transform_indices = @transform_2, window_bounds = array<i64: 512, 128>}, {pipeline_mode = #tpu.pipeline_mode<synchronous>, transform_indices = @transform_3, window_bounds = array<i64: 128, 64>}, {pipeline_mode = #tpu.pipeline_mode<synchronous>, transform_indices = @transform_4, window_bounds = array<i64: 1, 64>}, {pipeline_mode = #tpu.pipeline_mode<synchronous>, transform_indices = @transform_5, window_bounds = array<i64: 64, 6>}, {pipeline_mode = #tpu.pipeline_mode<synchronous>, transform_indices = @transform_6, window_bounds = array<i64: 1, 6>}, {transform_indices = @transform_7, window_bounds = array<i64: 512, 6>}]} {
    %get3A = arith.constant 0 : index
    %get3A_0 = arith.constant 0 : index
    %get3A_1 = vector.load %arg1[%get3A, %get3A_0] : memref<512x128xf32, #tpu.memory_space<vmem>>, vector<512x128xf32>
    %get3A_2 = arith.constant 0 : index
    %get3A_3 = arith.constant 0 : index
    %get3A_4 = vector.load %arg2[%get3A_2, %get3A_3] : memref<512x128xf32, #tpu.memory_space<vmem>>, vector<512x128xf32>
    %get3A_5 = arith.constant 0 : index
    %get3A_6 = arith.constant 0 : index
    %get3A_7 = vector.load %arg3[%get3A_5, %get3A_6] : memref<512x128xf32, #tpu.memory_space<vmem>>, vector<512x128xf32>
    %mul3A = arith.mulf %get3A_1, %get3A_4 : vector<512x128xf32>
    %slice3A = vector.extract_strided_slice %mul3A {offsets = [0, 0], sizes = [512, 64], strides = [1, 1]} : vector<512x128xf32> to vector<512x64xf32>
    %reduce_sum3A = arith.constant dense<0.000000e+00> : vector<512xf32>
    %reduce_sum3A_8 = vector.multi_reduction <add>, %slice3A, %reduce_sum3A [1] : vector<512x64xf32> to vector<512xf32>
    %broadcast_in_dim3A = vector.shape_cast %reduce_sum3A_8 : vector<512xf32> to vector<512x1xf32>
    %slice3A_9 = vector.extract_strided_slice %mul3A {offsets = [0, 64], sizes = [512, 64], strides = [1, 1]} : vector<512x128xf32> to vector<512x64xf32>
    %reduce_sum3A_10 = arith.constant dense<0.000000e+00> : vector<512xf32>
    %reduce_sum3A_11 = vector.multi_reduction <add>, %slice3A_9, %reduce_sum3A_10 [1] : vector<512x64xf32> to vector<512xf32>
    %broadcast_in_dim3A_12 = vector.shape_cast %reduce_sum3A_11 : vector<512xf32> to vector<512x1xf32>
    %slice3A_13 = vector.extract_strided_slice %get3A_7 {offsets = [0, 0], sizes = [512, 64], strides = [1, 1]} : vector<512x128xf32> to vector<512x64xf32>
    %mul3A_14 = vector.broadcast %broadcast_in_dim3A : vector<512x1xf32> to vector<512x64xf32>
    %mul3A_15 = arith.mulf %mul3A_14, %slice3A_13 : vector<512x64xf32>
    %slice3A_16 = vector.extract_strided_slice %get3A_7 {offsets = [0, 64], sizes = [512, 64], strides = [1, 1]} : vector<512x128xf32> to vector<512x64xf32>
    %mul3A_17 = vector.broadcast %broadcast_in_dim3A_12 : vector<512x1xf32> to vector<512x64xf32>
    %mul3A_18 = arith.mulf %mul3A_17, %slice3A_16 : vector<512x64xf32>
    %concatenate3A = tpu.concatenate %mul3A_15, %mul3A_18 in 1 : vector<512x64xf32>, vector<512x64xf32> -> vector<512x128xf32>
    %get3A_19 = arith.constant 0 : index
    %get3A_20 = arith.constant 0 : index
    %get3A_21 = vector.load %arg4[%get3A_19, %get3A_20] : memref<128x64xf32, #tpu.memory_space<vmem>>, vector<128x64xf32>
    %dot_general3A = arith.constant dense<0.000000e+00> : vector<512x64xf32>
    %dot_general3A_22 = tpu.matmul %concatenate3A, %get3A_21, %dot_general3A {dimension_numbers = #tpu.dot_dimension_numbers<[1], [0], [0], [1], [0, 0, 1, 1], [], []>, transpose_lhs_hint = false} : vector<512x128xf32>, vector<128x64xf32>, vector<512x64xf32> -> vector<512x64xf32>
    %get3A_23 = arith.constant 0 : index
    %get3A_24 = arith.constant 0 : index
    %get3A_25 = vector.load %arg5[%get3A_23, %get3A_24] : memref<1x64xf32, #tpu.memory_space<vmem>>, vector<1x64xf32>
    %add3A = vector.broadcast %get3A_25 : vector<1x64xf32> to vector<512x64xf32>
    %add3A_26 = arith.addf %dot_general3A_22, %add3A : vector<512x64xf32>
    %max3A = arith.constant 0.000000e+00 : f32
    %max3A_27 = vector.broadcast %max3A : f32 to vector<512x64xf32>
    %max3A_28 = arith.maximumf %add3A_26, %max3A_27 : vector<512x64xf32>
    %get3A_29 = arith.constant 0 : index
    %get3A_30 = arith.constant 0 : index
    %get3A_31 = vector.load %arg6[%get3A_29, %get3A_30] : memref<64x6xf32, #tpu.memory_space<vmem>>, vector<64x6xf32>
    %dot_general3A_32 = arith.constant dense<0.000000e+00> : vector<512x6xf32>
    %dot_general3A_33 = tpu.matmul %max3A_28, %get3A_31, %dot_general3A_32 {dimension_numbers = #tpu.dot_dimension_numbers<[1], [0], [0], [1], [0, 0, 1, 1], [], []>, transpose_lhs_hint = false} : vector<512x64xf32>, vector<64x6xf32>, vector<512x6xf32> -> vector<512x6xf32>
    %get3A_34 = arith.constant 0 : index
    %get3A_35 = arith.constant 0 : index
    %get3A_36 = vector.load %arg7[%get3A_34, %get3A_35] : memref<1x6xf32, #tpu.memory_space<vmem>>, vector<1x6xf32>
    %add3A_37 = vector.broadcast %get3A_36 : vector<1x6xf32> to vector<512x6xf32>
    %add3A_38 = arith.addf %dot_general3A_33, %add3A_37 : vector<512x6xf32>
    %max3A_39 = arith.constant 0.000000e+00 : f32
    %max3A_40 = vector.broadcast %max3A_39 : f32 to vector<512x6xf32>
    %max3A_41 = arith.maximumf %add3A_38, %max3A_40 : vector<512x6xf32>
    %swap3A = arith.constant 0 : index
    %swap3A_42 = arith.constant 0 : index
    %swap3A_43 = vector.load %arg8[%swap3A, %swap3A_42] : memref<512x6xf32, #tpu.memory_space<vmem>>, vector<512x6xf32>
    tpu.vector_store %arg8[%swap3A, %swap3A_42], %max3A_41 {strides = array<i32>} : memref<512x6xf32, #tpu.memory_space<vmem>>, vector<512x6xf32>,
    return
  }
  func.func @transform_0(%arg0: i32) -> (i32, i32) {
    %c0_i32 = arith.constant 0 : i32
    %c0_i32_0 = arith.constant 0 : i32
    return %arg0, %c0_i32 : i32, i32
  }
  func.func @transform_1(%arg0: i32) -> (i32, i32) {
    %c0_i32 = arith.constant 0 : i32
    %c0_i32_0 = arith.constant 0 : i32
    return %arg0, %c0_i32 : i32, i32
  }
  func.func @transform_2(%arg0: i32) -> (i32, i32) {
    %c0_i32 = arith.constant 0 : i32
    %c0_i32_0 = arith.constant 0 : i32
    return %arg0, %c0_i32 : i32, i32
  }
  func.func @transform_3(%arg0: i32) -> (i32, i32) {
    %c0_i32 = arith.constant 0 : i32
    %c0_i32_0 = arith.constant 0 : i32
    %c0_i32_1 = arith.constant 0 : i32
    return %c0_i32, %c0_i32_0 : i32, i32
  }
  func.func @transform_4(%arg0: i32) -> (i32, i32) {
    %c0_i32 = arith.constant 0 : i32
    %c0_i32_0 = arith.constant 0 : i32
    %c0_i32_1 = arith.constant 0 : i32
    return %c0_i32, %c0_i32_0 : i32, i32
  }
  func.func @transform_5(%arg0: i32) -> (i32, i32) {
    %c0_i32 = arith.constant 0 : i32
    %c0_i32_0 = arith.constant 0 : i32
    %c0_i32_1 = arith.constant 0 : i32
    return %c0_i32, %c0_i32_0 : i32, i32
  }
  func.func @transform_6(%arg0: i32) -> (i32, i32) {
    %c0_i32 = arith.constant 0 : i32
    %c0_i32_0 = arith.constant 0 : i32
    %c0_i32_1 = arith.constant 0 : i32
    return %c0_i32, %c0_i32_0 : i32, i32
  }
  func.func @transform_7(%arg0: i32) -> (i32, i32) {
    %c0_i32 = arith.constant 0 : i32
    %c0_i32_0 = arith.constant 0 : i32
    return %arg0, %c0_i32 : i32, i32
  }
}

</mosaic_0001>

<sc_bundles>
// kernel: kernel.12.cloned.1.call-start
scs
__scs_entry_jumppad:
0x0: {  	(pc) =	sbr.rel $0x88, $3  }
0x1: {  	(tag) =	ssettag $0x0;
	lr =	simm.s32 $0x1  }
0x2: {  	[smem:$0x3F93] =	sst lr;
	_ =	strace $0xD0000000  }
0x3: {  	_ = 	snop  }
0x4: {  	_ = 	snop  }
0x5: {  	_ = 	snop  }
0x6: {  	_ = 	snop  }
0x7: {  	_ = 	snop  }
__scs_overlays_trampoline_lowered:
0x8: {  	[smem:$0x3FA2] =	sst s0  }
0x9: {  	[smem:$0x3FA3] =	sst s1  }
0xa: {  	[smem:$0x3FA4] =	sst s2  }
0xb: {  	[smem:$0x3FA5] =	sst s3  }
0xc: {  	[smem:$0x3FA6] =	sst s4  }
0xd: {  	[smem:$0x3FA7] =	sst s5  }
0xe: {  	[smem:$0x3FA8] =	sst s6  }
0xf: {  	[smem:$0x3FA9] =	sst s7  }
0x10: {  	[smem:$0x3FAA] =	sst s8  }
0x11: {  	[smem:$0x3FAB] =	sst s9;
	s0 =	simm.s32 @!p0 $0x0  }
0x12: {  	s1 =	sld [smem:$0x3F91];
	s0 =	simm.s32 @p0 $0x1  }
0x13: {  	[smem:$0x3FAC] =	sst s0;
	s0 =	simm.s32 @!p1 $0x0  }
0x14: {  	s2 =	sld [smem:$0x3F90];
	s0 =	simm.s32 @p1 $0x1  }
0x15: {  	[smem:$0x3FAD] =	sst s0;
	s0 =	simm.s32 @!p2 $0x0  }
0x16: {  	s3 =	sld [smem:$0x3FDB];
	s0 =	simm.s32 @p2 $0x1  }
0x17: {  	s4 =	simm.s32 $0x1BF5;
	[smem:$0x3FAF] =	sst s0  }
0x18: {  	s0 =	sld [smem:$0x3F92];
	_ =	swait.ge [sflag:s4], $0x0  }
0x19: {  	s7 =	sld [smem:$0x3F93]  }
0x1a: {  	s8 =	sadd.s32 $0xFFFFE003, lr  }
0x1b: {  	s9 =	sadd.s32 $0xFFFFFEF7, lr;
	s5 =	simm.s32 $0xFFFFFFFF;
	p2 =	slt.u32 s8, $0xFFFFF086  }
0x1c: {  	p1 =	slt.u32 s9, $0xF7A;
	s5 =	simm.s32 @!p2 $0x0  }
0x1d: {  	s5 =	simm.s32 @p1 $0x1;
	p0 =	seq.s32 s7, s2  }
0x1e: {  	s7 =	smul.u32 @!p0 $0xF7A, s2;
	p2 =	seq.s32 @!p0 s5, $0x0  }
0x1f: {  	s9 =	smul.u32 $0xF7A, s1;
	s8 =	simm.s32 @!p0 $0x1BF5;
	p2 =	por !p2, p0  }
0x20: {  	[sflag:s8] =	ssyncset.s32 @!p0 $0xFFFFF086;
	s6 =	sadd.s32 @!p0 s3, s7;
	s7 =	simm.s32 @!p0 $0x108  }
0x21: {  	s3 =	sadd.s32 s3, s9;
	s6 =	sadd.s32 @!p0 $0x88, s6;
	s7 =	simm.s32 @p2 $0x1082  }
0x22: {  	[simem:s7], [sflag:s8] =	dma.local @!p0 [hbm:s6], $0xF7A  }
0x23: {  	s9 =	sor.u32 $0xD0000000, s2;
	s6 =	simm.s32 $0x108;
	_ =	swait.ge @!p0 [sflag:s8], $0x0  }
0x24: {  	s3 =	sadd.s32 $0x88, s3;
	s6 =	simm.s32 @!p1 $0x1082;
	[sflag:s4] =	ssyncset.s32 $0xFFFFF086  }
0x25: {  	[simem:s6], [sflag:s4] =	dma.local [hbm:s3], $0xF7A  }
0x26: {  	[smem:$0x3F93] =	sst s1;
	(tag) =	ssettag s2;
	_ =	strace s9  }
0x27: {  	s1 =	sld [smem:$0x3FA3]  }
0x28: {  	s2 =	sld [smem:$0x3FA4]  }
0x29: {  	s4 =	sld [smem:$0x3FA6]  }
0x2a: {  	p0 =	seq.s32 s5, $0x0;
	s5 =	sld [smem:$0x3FA7]  }
0x2b: {  	s6 =	sld [smem:$0x3FA8]  }
0x2c: {  	s7 =	sld [smem:$0x3FA9]  }
0x2d: {  	s3 =	simm.s32 $0x108;
	s8 =	sld [smem:$0x3FAA]  }
0x2e: {  	s3 =	simm.s32 @!p0 $0x1082;
	s9 =	sld [smem:$0x3FAB]  }
0x2f: {  	lr =	sadd.s32 s0, s3;
	s0 =	sld [smem:$0x3FA2]  }
0x30: {  	s3 =	sld [smem:$0x3FA5]  }
0x31: {  	[smem:$0x3FAE] =	sst s10  }
0x32: {  	s10 =	sld [smem:$0x3FAC];
	_ =	sdelay $0x3  }
0x33: {  	p0 =	seq.s32 s10, $0x1;
	s10 =	sld [smem:$0x3FAE];
	_ =	sdelay $0x3  }
0x34: {  	[smem:$0x3FAE] =	sst s10  }
0x35: {  	s10 =	sld [smem:$0x3FAD];
	_ =	sdelay $0x3  }
0x36: {  	p1 =	seq.s32 s10, $0x1;
	s10 =	sld [smem:$0x3FAE];
	_ =	sdelay $0x3  }
0x37: {  	[smem:$0x3FAE] =	sst s10  }
0x38: {  	s10 =	sld [smem:$0x3FAF]  }
0x39: {  	_ = 	snop;
	(pc) =	sbr.ind lr, $3  }
0x3a: {  	_ = 	snop  }
0x3b: {  	_ = 	snop  }
0x3c: {  	p2 =	seq.s32 s10, $0x1;
	s10 =	sld [smem:$0x3FAE]  }
0x3d: {  	_ =	shalt  }
0x3e: {  	_ =	shalt  }
0x3f: {  	_ =	shalt  }
0x40: {  	_ =	shalt  }
0x41: {  	_ =	shalt  }
0x42: {  	_ =	shalt  }
0x43: {  	_ =	shalt  }
0x44: {  	_ =	shalt  }
0x45: {  	_ =	shalt  }
0x46: {  	_ =	shalt  }
0x47: {  	_ =	shalt  }
0x48: {  	_ =	shalt  }
0x49: {  	_ =	shalt  }
0x4a: {  	_ =	shalt  }
0x4b: {  	_ =	shalt  }
0x4c: {  	_ =	shalt  }
0x4d: {  	_ =	shalt  }
0x4e: {  	_ =	shalt  }
0x4f: {  	_ =	shalt  }
0x50: {  	_ =	shalt  }
0x51: {  	_ =	shalt  }
0x52: {  	_ =	shalt  }
0x53: {  	_ =	shalt  }
0x54: {  	_ =	shalt  }
0x55: {  	_ =	shalt  }
0x56: {  	_ =	shalt  }
0x57: {  	_ =	shalt  }
0x58: {  	_ =	shalt  }
0x59: {  	_ =	shalt  }
0x5a: {  	_ =	shalt  }
0x5b: {  	_ =	shalt  }
0x5c: {  	_ =	shalt  }
0x5d: {  	_ =	shalt  }
0x5e: {  	_ =	shalt  }
0x5f: {  	_ =	shalt  }
0x60: {  	_ =	shalt  }
0x61: {  	_ =	shalt  }
0x62: {  	_ =	shalt  }
0x63: {  	_ =	shalt  }
0x64: {  	_ =	shalt  }
0x65: {  	_ =	shalt  }
0x66: {  	_ =	shalt  }
0x67: {  	_ =	shalt  }
0x68: {  	_ =	shalt  }
0x69: {  	_ =	shalt  }
0x6a: {  	_ =	shalt  }
0x6b: {  	_ =	shalt  }
0x6c: {  	_ =	shalt  }
0x6d: {  	_ =	shalt  }
0x6e: {  	_ =	shalt  }
0x6f: {  	_ =	shalt  }
0x70: {  	_ =	shalt  }
0x71: {  	_ =	shalt  }
0x72: {  	_ =	shalt  }
0x73: {  	_ =	shalt  }
0x74: {  	_ =	shalt  }
0x75: {  	_ =	shalt  }
0x76: {  	_ =	shalt  }
0x77: {  	_ =	shalt  }
0x78: {  	_ =	shalt  }
0x79: {  	_ =	shalt  }
0x7a: {  	_ =	shalt  }
0x7b: {  	_ =	shalt  }
0x7c: {  	_ =	shalt  }
0x7d: {  	_ =	shalt  }
0x7e: {  	_ =	shalt  }
0x7f: {  	_ =	shalt  }
0x80: {  	_ =	shalt  }
0x81: {  	_ =	shalt  }
0x82: {  	_ =	shalt  }
0x83: {  	_ =	shalt  }
0x84: {  	_ =	shalt  }
0x85: {  	_ =	shalt  }
0x86: {  	_ =	shalt  }
0x87: {  	_ =	shalt  }
.Lfunc_end0:
.L_simem_size_0:
called_computation.1_lowered:
.L_overlay_start_0:
0x88: {  	s2 =	sld [smem:$0x3FD9]  }
0x89: {  	s3 =	sld [smem:$0x3FFE];
	_ =	sdelay $0x1  }
0x8a: {  	s1 =	srdreg.scid  }
0x8b: {  	s0 =	sand.u32 $0x1, s1  }
0x8c: {  	s16 =	sshll.u32 s0, $0xA;
	s2 =	sadd.s32 s3, s2  }
0x8d: {  	s2 =	sadd.s32 s2, s16  }
0x8e: {  	[smem:$0x3FBA] =	sst s2  }
0x8f: {  	_ = 	snop  }
0x90: {  	(tm) =	ssettm $0x1  }
0x91: {  	s17 =	sld [smem:$0x3FFB];
	_ =	sdelay $0x3  }
0x92: {  	_ =	strace s17  }
0x93: {  	s2 =	sld [smem:$0x3FFC];
	_ =	sdelay $0x3  }
0x94: {  	_ =	strace s2  }
0x95: {  	s2 =	sld [smem:$0x3FFD];
	_ =	sdelay $0x3  }
0x96: {  	_ =	strace s2  }
0x97: {  	_ =	strace $0x8FFFFFFF  }
0x98: {  	s18 =	sld [smem:$0x3FDB];
	_ =	sdelay $0x1  }
0x99: {  	s19 =	simm.s32 $_scs_section_size  }
0x9a: {  	s4 =	simm.s32 $_size__tile_overlayer_lowered;
	s5 =	simm.s32 $_tile_overlayer_lowered  }
0x9b: {  	s22 =	simm.s32 $0x1BFF;
	s21 =	sshll.u32 s5, $0x1;
	s2 =	sadd.s32 s19, s18  }
0x9c: {  	s6 =	simm.s32 $0x0;
	s20 =	sshll.u32 s4, $0x1;
	s4 =	sadd.s32 s21, s2  }
0x9d: {  	[timem:s6], [sflag:s22] =	dma.local [hbm:s4], s20  }
0x9e: {  	_ =	swait.ge [sflag:s22], s20  }
0x9f: {  	s3 =	ssub.s32 $0x0, s20;
	[sflag:s22] =	ssyncset.done $0x0  }
0xa0: {  	[sflag:s22] =	ssyncadd.s32 s3;
	_ =	sdelay $0x1  }
0xa1: {  	s23 =	simm.s32 $0x1B8B  }
0xa2: {  	_ =	swait.ge [sflag:s23], $0x1  }
0xa3: {  	[sflag:s23] =	ssyncset.done $0x0  }
0xa4: {  	s25 =	simm.s32 $0x1B8E;
	s24 =	sld [smem:$0x3FFE];
	[sflag:s23] =	ssyncadd.s32 $0xFFFFFFFF  }
0xa5: {  	s26 =	simm.s32 $execute0_lowered;
	[smem:$0x3FD2] =	sst s25  }
0xa6: {  	s4 =	sshll.u32 s26, $0x1;
	_ =	strace $0x80000046;
	[dreg:$0x1] =	wrdreg $0xFFFFFFFF  }
0xa7: {  	s28 =	simm.s32 $_size_execute0_lowered;
	s2 =	sadd.s32 s2, s4;
	[dreg:$0x0] =	wrdreg $0x0  }
0xa8: {  	s4 =	sshll.u32 s28, $0x1;
	[dreg:$0x2] =	wrdreg s2  }
0xa9: {  	[dreg:$0x3] =	wrdreg s4  }
0xaa: {  	[dreg:$0x4] =	wrdreg $0xC0  }
0xab: {  	_ =	task [dreg:s6], $0x5FFFF  }
0xac: {  	[dreg:$0x1] =	wrdreg $0xFFFFFFFF  }
0xad: {  	[dreg:$0x0] =	wrdreg $0x60  }
0xae: {  	[dreg:$0x2] =	wrdreg s24  }
0xaf: {  	[dreg:$0x3] =	wrdreg $0xA  }
0xb0: {  	_ =	task.clear_ibuf [dreg:s6], $0x4FFFF;
	_ =	strace $0x90000046  }
0xb1: {  	s29 =	simm.s32 $0xA;
	_ =	strace $0x80000048  }
0xb2: {  	_ =	swait.ge [sflag:s29], $0x1  }
0xb3: {  	[sflag:s29] =	ssyncadd.s32 $0xFFFFFFFF  }
0xb4: {  	_ =	strace $0x90000048  }
0xb5: {  	_ =	sfence  }
0xb6: {  	s30 =	sld [smem:$0x0];
	_ =	sdelay $0x2  }
0xb7: {  	s31 =	sshll.u32 s1, $0xD;
	s1 =	sshrl.u32 s1, $0x2  }
0xb8: {  	s3 =	sand.u32 $0x4000, s31;
	s1 =	sadd.s32 s1, s30  }
0xb9: {  	s0 =	sor.u32 s3, s0;
	s1 =	sshll.u32 s1, $0x11  }
0xba: {  	s0 =	sor.u32 s1, s0  }
0xbb: {  	s0 =	sadd.s32 $0x8F2B, s0  }
0xbc: {  	[sflag:s0] =	ssyncadd.remote.s32 $0x1  }
0xbd: {  	_ =	sfence.sel $0xFFFF  }
0xbe: {  	[dreg:$0x0] =	wrdreg $0xFFFFFFFF;
	(pc) =	sbr.abs _section_cstart, $3  }
0xbf: {  	[dreg:$0x1] =	wrdreg $0xFFFFFFFF  }
0xc0: {  	_ =	task.clear_ibuf [dreg:s6], $0x2FFFF;
	_ =	strace $0x9FFFFFFF  }
0xc1: {  	(tm) =	ssettm $0x7FFFFFFF  }
tec
execute0_lowered:
.L_overlay_start_1:
0x0: {  	(tag) =	ssettag $0x1  }
0x1: {  	s1 =	srdreg.scid  }
0x2: {  	s0 =	stileid.u32;
	s4 =	rddreg [dreg:$0x0]  }
0x3: {  	s2 =	simm.s32 $0x0;
	s11 =	simm.s32 $0x4480;
	s12 =	simm.s32 $0x6480  }
0x4: {  	s13 =	simm.s32 $0x1;
	s14 =	simm.s32 $0x2400;
	s15 =	simm.s32 $0x0  }
0x5: {  	s5 =	sand.u32 $0x1, s1;
	s3 =	sshll.u32 s0, $0x1;
	s1 =	rddreg [dreg:$0x1]  }
0x6: {  	[smem:$0x7FF] =	sst s2;
	s10 =	smul.u32 $0x24800, s0;
	s6 =	sor.u32 s5, s3  }
0x7: {  	s9 =	sadd.s32 $0x24D000, s4;
	_ =	strace $0x80000047;
	s7 =	smul.u32 $0x2480, s6  }
0x8: {  	s3 =	sadd.s32 $0x189A00, s4;
	s8 =	ssub.s32 $0x2, s5;
	s6 =	smul.u32 $0x92000, s6  }
0x9: {  	s30 =	smul.u32 $0x12400, s5;
	s29 =	sshrl.u32 s8, $0x1;
	s31 =	sadd.s32 s10, s9  }
0xa: {  	s10 =	simm.s32 $0x2480;
	s7 =	sshrl.u32 s7, $0x3;
	s6 =	sshrl.u32 s6, $0x3  }
0xb: {  	s8 =	ssub.s32 s8, s29;
	s7 =	sadd.s32 s7, s4;
	s6 =	sadd.s32 s9, s6  }
0xc: {  	s9 =	simm.s32 $0x80;
	s4 =	sadd.s32 $0x3000, s7;
	s5 =	sadd.s32 $0x12000, s6  }
0xd: {  	s6 =	smax.u32 s8, $0x1;
	s7 =	sadd.s32 s30, s31;
	s8 =	simm.s32 $0x2  }
.LBB2_1:
0xe: {  	[tilespmem:s2], [sflag:$0x2] =	stream.linear.gather [hbm4b:s4+s2], $0x2480, $0x38;
	[tilespmem:$0x8480] =	vst v63  }
0xf: {  	_ =	swait.ge [sflag:s8], $0x2480  }
0x10: {  	[sflag:s8] =	ssyncset.done $0x0  }
0x11: {  	s16 =	simm.s32 $0x0;
	[sflag:s8] =	ssyncadd.s32 $0xFFFFDB80  }
0x12: {  	[tilespmem:s10], [sflag:$0x1] =	stream.indirect.gather [hbm4b:s3+s9], $0x40, s16, s9, $0xb8;
	[tilespmem:$0x8480] =	vst v63  }
0x13: {  	s29 =	simm.s32 $0x80  }
0x14: {  	[tilespmem:s11], [sflag:$0x1] =	stream.indirect.gather [hbm4b:s3+s9], $0x40, s29, s9, $0xb8;
	[tilespmem:$0x8480] =	vst v63  }
0x15: {  	s30 =	simm.s32 $0x100  }
0x16: {  	[tilespmem:s12], [sflag:$0x1] =	stream.indirect.gather [hbm4b:s3+s9], $0x40, s30, s9, $0xb8;
	[tilespmem:$0x8480] =	vst v63  }
0x17: {  	_ =	swait.ge [sflag:s13], $0x2000  }
0x18: {  	[sflag:s13] =	ssyncset.done $0x0  }
0x19: {  	[sflag:s13] =	ssyncadd.s32 $0xFFFFE000  }
0x1a: {  	_ =	swait.ge [sflag:s13], $0x2000  }
0x1b: {  	[sflag:s13] =	ssyncset.done $0x0  }
0x1c: {  	[sflag:s13] =	ssyncadd.s32 $0xFFFFE000  }
0x1d: {  	_ =	swait.ge [sflag:s13], $0x2000  }
0x1e: {  	[sflag:s13] =	ssyncset.done $0x0  }
0x1f: {  	s31 =	sadd.s32 $0x0, s7;
	[sflag:s13] =	ssyncadd.s32 $0xFFFFE000  }
0x20: {  	[hbm4b:s31+s2] =	stream.linear.scatter [tilespmem:s10], [sflag:$0x2], $0x6000, $0x38;
	[tilespmem:$0x8480] =	vst v63  }
0x21: {  	s18 =	simm.s32 $0x1800;
	_ =	swait.ge [sflag:s8], $0x6000  }
0x22: {  	s17 =	simm.s32 $0x280;
	s16 =	simm.s32 $0xC00;
	[sflag:s8] =	ssyncset.done $0x0  }
.LBB2_2:
0x23: {  	p0 =	sne.s32 s18, $0x11400;
	s19 =	sadd.s32 $0xFFFFFF00, s17;
	[sflag:s8] =	ssyncadd.s32 $0xFFFFA000  }
0x24: {  	[tilespmem:s10], [sflag:$0x1] =	stream.indirect.gather [hbm4b:s3+s9], $0x40, s19, s9, $0xb8;
	[tilespmem:$0x8480] =	vst v63  }
0x25: {  	s20 =	smov.u32 s18;
	s18 =	sadd.s32 $0xC00, s18;
	s19 =	sadd.s32 $0xFFFFFF80, s17  }
0x26: {  	[tilespmem:s11], [sflag:$0x1] =	stream.indirect.gather [hbm4b:s3+s9], $0x40, s19, s9, $0xb8;
	[tilespmem:$0x8480] =	vst v63  }
0x27: {  	_ = 	snop  }
0x28: {  	[tilespmem:s12], [sflag:$0x1] =	stream.indirect.gather [hbm4b:s3+s9], $0x40, s17, s9, $0xb8;
	[tilespmem:$0x8480] =	vst v63  }
0x29: {  	_ =	swait.ge [sflag:s13], $0x2000  }
0x2a: {  	[sflag:s13] =	ssyncset.done $0x0  }
0x2b: {  	[sflag:s13] =	ssyncadd.s32 $0xFFFFE000  }
0x2c: {  	_ =	swait.ge [sflag:s13], $0x2000  }
0x2d: {  	[sflag:s13] =	ssyncset.done $0x0  }
0x2e: {  	[sflag:s13] =	ssyncadd.s32 $0xFFFFE000  }
0x2f: {  	_ =	swait.ge [sflag:s13], $0x2000  }
.Ltmp0:
0x30: {  	[sflag:s13] =	ssyncset.done $0x0;
	(pc) =	sbr.rel @p0 .LBB2_2-.Ltmp0, $4  }
0x31: {  	s19 =	sadd.s32 s16, s7;
	s16 =	smov.u32 s20;
	[sflag:s13] =	ssyncadd.s32 $0xFFFFE000  }
0x32: {  	[hbm4b:s19+s2] =	stream.linear.scatter [tilespmem:s10], [sflag:$0x2], $0x6000, $0x38;
	[tilespmem:$0x8480] =	vst v63  }
0x33: {  	_ =	swait.ge [sflag:s8], $0x6000  }
0x34: {  	s17 =	sadd.s32 $0x180, s17;
	[sflag:s8] =	ssyncset.done $0x0  }
0x35: {  	s18 =	sadd.s32 $0xFFFFFF00, s17;
	[sflag:s8] =	ssyncadd.s32 $0xFFFFA000  }
0x36: {  	[tilespmem:s10], [sflag:$0x1] =	stream.indirect.gather [hbm4b:s3+s9], $0x40, s18, s9, $0xb8;
	[tilespmem:$0x8480] =	vst v63  }
0x37: {  	s31 =	sadd.s32 $0xFFFFFF80, s17  }
0x38: {  	[tilespmem:s11], [sflag:$0x1] =	stream.indirect.gather [hbm4b:s3+s9], $0x40, s31, s9, $0xb8;
	[tilespmem:$0x8480] =	vst v63  }
0x39: {  	_ = 	snop  }
0x3a: {  	[tilespmem:s12], [sflag:$0x1] =	stream.indirect.gather [hbm4b:s3+s9], $0x40, s17, s9, $0xb8;
	[tilespmem:$0x8480] =	vst v63  }
0x3b: {  	_ =	swait.ge [sflag:s13], $0x2000  }
0x3c: {  	[sflag:s13] =	ssyncset.done $0x0  }
0x3d: {  	[sflag:s13] =	ssyncadd.s32 $0xFFFFE000  }
0x3e: {  	_ =	swait.ge [sflag:s13], $0x2000  }
0x3f: {  	[sflag:s13] =	ssyncset.done $0x0  }
0x40: {  	[sflag:s13] =	ssyncadd.s32 $0xFFFFE000  }
0x41: {  	_ =	swait.ge [sflag:s13], $0x2000  }
0x42: {  	[sflag:s13] =	ssyncset.done $0x0  }
0x43: {  	s16 =	sadd.s32 s16, s7;
	[sflag:s13] =	ssyncadd.s32 $0xFFFFE000  }
0x44: {  	[hbm4b:s16+s2] =	stream.linear.scatter [tilespmem:s10], [sflag:$0x2], $0x6000, $0x38;
	[tilespmem:$0x8480] =	vst v63  }
0x45: {  	_ =	swait.ge [sflag:s8], $0x6000  }
0x46: {  	[sflag:s8] =	ssyncset.done $0x0  }
0x47: {  	[sflag:s8] =	ssyncadd.s32 $0xFFFFA000  }
0x48: {  	[tilespmem:s10], [sflag:$0x1] =	stream.indirect.gather [hbm4b:s3+s9], $0x40, s14, s9, $0xb8;
	[tilespmem:$0x8480] =	vst v63  }
0x49: {  	s15 =	sadd.s32 $0x1, s15;
	_ =	swait.ge [sflag:s13], $0x2000  }
0x4a: {  	p0 =	sne.s32 s15, s6;
	[sflag:s13] =	ssyncset.done $0x0  }
.Ltmp1:
0x4b: {  	[sflag:s13] =	ssyncadd.s32 $0xFFFFE000;
	(pc) =	sbr.rel @p0 .LBB2_1-.Ltmp1, $4  }
0x4c: {  	[hbm4b:s5+s2] =	stream.linear.scatter [tilespmem:s10], [sflag:$0x2], $0x2000, $0x38;
	[tilespmem:$0x8480] =	vst v63  }
0x4d: {  	_ =	swait.ge [sflag:s8], $0x2000  }
0x4e: {  	[sflag:s8] =	ssyncset.done $0x0  }
0x4f: {  	[sflag:s8] =	ssyncadd.s32 $0xFFFFE000  }
0x50: {  	_ =	sfence.sel $0x180000  }
0x51: {  	[bflag:$0x0] =	sbarrier.arrive $0xFFFF  }
0x52: {  	p0 =	sne.s32 s0, $0x0;
	_ =	strace $0x90000047  }
0x53: {  	s0 =	sadd.s32 @!p0 $0x100000, s1;
	[bflag:$0x2] =	sbarrier.arrive $0xFFFF  }
0x54: {  	[sflag:s0] =	ssyncadd.tile.s32 @!p0 $0x1;
	_ =	shalt  }
.Lfunc_end2:
_tile_overlayer_lowered:
.L_overlay_start_2:
0x55: {  	(tag) =	ssettag $0x2  }
0x56: {  	s0 =	rddreg [dreg:$0x0];
	s2 =	stileid.u32  }
0x57: {  	s1 =	rddreg [dreg:$0x1];
	p0 =	sne.s32 s2, $0x0  }
0x58: {  	s3 =	rddreg [dreg:$0x2];
	[bflag:$0x3] =	sbarrier.arrive $0xFFFF;
	s2 =	simm.s32 @!p0 $0x1C02  }
0x59: {  	[timem:s3], [sflag:s2] =	dma.local @!p0 [hbm:s0], s1  }
0x5a: {  	s0 =	simm.s32 @!p0 $0x2  }
0x5b: {  	_ =	swait.ge @!p0 [sflag:s0], s1  }
0x5c: {  	s1 =	ssub.s32 @!p0 $0x0, s1;
	[sflag:s0] =	ssyncset.done @!p0 $0x0  }
0x5d: {  	[sflag:s0] =	ssyncadd.s32 @!p0 s1  }
0x5e: {  	[bflag:$0x3] =	sbarrier.arrive $0xFFFF  }
0x5f: {  	_ =	shalt  }

// kernel: kernel.15.cloned.1.call-start
scs
__scs_entry_jumppad:
0x0: {  	(pc) =	sbr.rel $0x88, $3  }
0x1: {  	(tag) =	ssettag $0x0;
	lr =	simm.s32 $0x1  }
0x2: {  	[smem:$0x3F93] =	sst lr;
	_ =	strace $0xD0000000  }
0x3: {  	_ = 	snop  }
0x4: {  	_ = 	snop  }
0x5: {  	_ = 	snop  }
0x6: {  	_ = 	snop  }
0x7: {  	_ = 	snop  }
__scs_overlays_trampoline_lowered:
0x8: {  	[smem:$0x3FA2] =	sst s0  }
0x9: {  	[smem:$0x3FA3] =	sst s1  }
0xa: {  	[smem:$0x3FA4] =	sst s2  }
0xb: {  	[smem:$0x3FA5] =	sst s3  }
0xc: {  	[smem:$0x3FA6] =	sst s4  }
0xd: {  	[smem:$0x3FA7] =	sst s5  }
0xe: {  	[smem:$0x3FA8] =	sst s6  }
0xf: {  	[smem:$0x3FA9] =	sst s7  }
0x10: {  	[smem:$0x3FAA] =	sst s8  }
0x11: {  	[smem:$0x3FAB] =	sst s9;
	s0 =	simm.s32 @!p0 $0x0  }
0x12: {  	s1 =	sld [smem:$0x3F91];
	s0 =	simm.s32 @p0 $0x1  }
0x13: {  	[smem:$0x3FAC] =	sst s0;
	s0 =	simm.s32 @!p1 $0x0  }
0x14: {  	s2 =	sld [smem:$0x3F90];
	s0 =	simm.s32 @p1 $0x1  }
0x15: {  	[smem:$0x3FAD] =	sst s0;
	s0 =	simm.s32 @!p2 $0x0  }
0x16: {  	s3 =	sld [smem:$0x3FDB];
	s0 =	simm.s32 @p2 $0x1  }
0x17: {  	s4 =	simm.s32 $0x1BF5;
	[smem:$0x3FAF] =	sst s0  }
0x18: {  	s0 =	sld [smem:$0x3F92];
	_ =	swait.ge [sflag:s4], $0x0  }
0x19: {  	s7 =	sld [smem:$0x3F93]  }
0x1a: {  	s8 =	sadd.s32 $0xFFFFE003, lr  }
0x1b: {  	s9 =	sadd.s32 $0xFFFFFEF7, lr;
	s5 =	simm.s32 $0xFFFFFFFF;
	p2 =	slt.u32 s8, $0xFFFFF086  }
0x1c: {  	p1 =	slt.u32 s9, $0xF7A;
	s5 =	simm.s32 @!p2 $0x0  }
0x1d: {  	s5 =	simm.s32 @p1 $0x1;
	p0 =	seq.s32 s7, s2  }
0x1e: {  	s7 =	smul.u32 @!p0 $0xF7A, s2;
	p2 =	seq.s32 @!p0 s5, $0x0  }
0x1f: {  	s9 =	smul.u32 $0xF7A, s1;
	s8 =	simm.s32 @!p0 $0x1BF5;
	p2 =	por !p2, p0  }
0x20: {  	[sflag:s8] =	ssyncset.s32 @!p0 $0xFFFFF086;
	s6 =	sadd.s32 @!p0 s3, s7;
	s7 =	simm.s32 @!p0 $0x108  }
0x21: {  	s3 =	sadd.s32 s3, s9;
	s6 =	sadd.s32 @!p0 $0x88, s6;
	s7 =	simm.s32 @p2 $0x1082  }
0x22: {  	[simem:s7], [sflag:s8] =	dma.local @!p0 [hbm:s6], $0xF7A  }
0x23: {  	s9 =	sor.u32 $0xD0000000, s2;
	s6 =	simm.s32 $0x108;
	_ =	swait.ge @!p0 [sflag:s8], $0x0  }
0x24: {  	s3 =	sadd.s32 $0x88, s3;
	s6 =	simm.s32 @!p1 $0x1082;
	[sflag:s4] =	ssyncset.s32 $0xFFFFF086  }
0x25: {  	[simem:s6], [sflag:s4] =	dma.local [hbm:s3], $0xF7A  }
0x26: {  	[smem:$0x3F93] =	sst s1;
	(tag) =	ssettag s2;
	_ =	strace s9  }
0x27: {  	s1 =	sld [smem:$0x3FA3]  }
0x28: {  	s2 =	sld [smem:$0x3FA4]  }
0x29: {  	s4 =	sld [smem:$0x3FA6]  }
0x2a: {  	p0 =	seq.s32 s5, $0x0;
	s5 =	sld [smem:$0x3FA7]  }
0x2b: {  	s6 =	sld [smem:$0x3FA8]  }
0x2c: {  	s7 =	sld [smem:$0x3FA9]  }
0x2d: {  	s3 =	simm.s32 $0x108;
	s8 =	sld [smem:$0x3FAA]  }
0x2e: {  	s3 =	simm.s32 @!p0 $0x1082;
	s9 =	sld [smem:$0x3FAB]  }
0x2f: {  	lr =	sadd.s32 s0, s3;
	s0 =	sld [smem:$0x3FA2]  }
0x30: {  	s3 =	sld [smem:$0x3FA5]  }
0x31: {  	[smem:$0x3FAE] =	sst s10  }
0x32: {  	s10 =	sld [smem:$0x3FAC];
	_ =	sdelay $0x3  }
0x33: {  	p0 =	seq.s32 s10, $0x1;
	s10 =	sld [smem:$0x3FAE];
	_ =	sdelay $0x3  }
0x34: {  	[smem:$0x3FAE] =	sst s10  }
0x35: {  	s10 =	sld [smem:$0x3FAD];
	_ =	sdelay $0x3  }
0x36: {  	p1 =	seq.s32 s10, $0x1;
	s10 =	sld [smem:$0x3FAE];
	_ =	sdelay $0x3  }
0x37: {  	[smem:$0x3FAE] =	sst s10  }
0x38: {  	s10 =	sld [smem:$0x3FAF]  }
0x39: {  	_ = 	snop;
	(pc) =	sbr.ind lr, $3  }
0x3a: {  	_ = 	snop  }
0x3b: {  	_ = 	snop  }
0x3c: {  	p2 =	seq.s32 s10, $0x1;
	s10 =	sld [smem:$0x3FAE]  }
0x3d: {  	_ =	shalt  }
0x3e: {  	_ =	shalt  }
0x3f: {  	_ =	shalt  }
0x40: {  	_ =	shalt  }
0x41: {  	_ =	shalt  }
0x42: {  	_ =	shalt  }
0x43: {  	_ =	shalt  }
0x44: {  	_ =	shalt  }
0x45: {  	_ =	shalt  }
0x46: {  	_ =	shalt  }
0x47: {  	_ =	shalt  }
0x48: {  	_ =	shalt  }
0x49: {  	_ =	shalt  }
0x4a: {  	_ =	shalt  }
0x4b: {  	_ =	shalt  }
0x4c: {  	_ =	shalt  }
0x4d: {  	_ =	shalt  }
0x4e: {  	_ =	shalt  }
0x4f: {  	_ =	shalt  }
0x50: {  	_ =	shalt  }
0x51: {  	_ =	shalt  }
0x52: {  	_ =	shalt  }
0x53: {  	_ =	shalt  }
0x54: {  	_ =	shalt  }
0x55: {  	_ =	shalt  }
0x56: {  	_ =	shalt  }
0x57: {  	_ =	shalt  }
0x58: {  	_ =	shalt  }
0x59: {  	_ =	shalt  }
0x5a: {  	_ =	shalt  }
0x5b: {  	_ =	shalt  }
0x5c: {  	_ =	shalt  }
0x5d: {  	_ =	shalt  }
0x5e: {  	_ =	shalt  }
0x5f: {  	_ =	shalt  }
0x60: {  	_ =	shalt  }
0x61: {  	_ =	shalt  }
0x62: {  	_ =	shalt  }
0x63: {  	_ =	shalt  }
0x64: {  	_ =	shalt  }
0x65: {  	_ =	shalt  }
0x66: {  	_ =	shalt  }
0x67: {  	_ =	shalt  }
0x68: {  	_ =	shalt  }
0x69: {  	_ =	shalt  }
0x6a: {  	_ =	shalt  }
0x6b: {  	_ =	shalt  }
0x6c: {  	_ =	shalt  }
0x6d: {  	_ =	shalt  }
0x6e: {  	_ =	shalt  }
0x6f: {  	_ =	shalt  }
0x70: {  	_ =	shalt  }
0x71: {  	_ =	shalt  }
0x72: {  	_ =	shalt  }
0x73: {  	_ =	shalt  }
0x74: {  	_ =	shalt  }
0x75: {  	_ =	shalt  }
0x76: {  	_ =	shalt  }
0x77: {  	_ =	shalt  }
0x78: {  	_ =	shalt  }
0x79: {  	_ =	shalt  }
0x7a: {  	_ =	shalt  }
0x7b: {  	_ =	shalt  }
0x7c: {  	_ =	shalt  }
0x7d: {  	_ =	shalt  }
0x7e: {  	_ =	shalt  }
0x7f: {  	_ =	shalt  }
0x80: {  	_ =	shalt  }
0x81: {  	_ =	shalt  }
0x82: {  	_ =	shalt  }
0x83: {  	_ =	shalt  }
0x84: {  	_ =	shalt  }
0x85: {  	_ =	shalt  }
0x86: {  	_ =	shalt  }
0x87: {  	_ =	shalt  }
.Lfunc_end0:
.L_simem_size_0:
called_computation.2_lowered:
.L_overlay_start_0:
0x88: {  	s2 =	sld [smem:$0x3FD9]  }
0x89: {  	s3 =	sld [smem:$0x3FFE];
	_ =	sdelay $0x1  }
0x8a: {  	s1 =	srdreg.scid  }
0x8b: {  	s0 =	sand.u32 $0x1, s1  }
0x8c: {  	s17 =	sshll.u32 s0, $0xA;
	s2 =	sadd.s32 s3, s2  }
0x8d: {  	s2 =	sadd.s32 s2, s17  }
0x8e: {  	[smem:$0x3FBA] =	sst s2  }
0x8f: {  	_ = 	snop  }
0x90: {  	(tm) =	ssettm $0x1  }
0x91: {  	s18 =	sld [smem:$0x3FFB];
	_ =	sdelay $0x3  }
0x92: {  	_ =	strace s18  }
0x93: {  	s2 =	sld [smem:$0x3FFC];
	_ =	sdelay $0x3  }
0x94: {  	_ =	strace s2  }
0x95: {  	s2 =	sld [smem:$0x3FFD];
	_ =	sdelay $0x3  }
0x96: {  	_ =	strace s2  }
0x97: {  	_ =	strace $0x8FFFFFFF  }
0x98: {  	s19 =	sld [smem:$0x3FDB];
	_ =	sdelay $0x1  }
0x99: {  	s20 =	simm.s32 $_scs_section_size  }
0x9a: {  	s4 =	simm.s32 $_size__tile_overlayer_lowered;
	s5 =	simm.s32 $_tile_overlayer_lowered  }
0x9b: {  	s6 =	simm.s32 $0x1BFF;
	s21 =	sshll.u32 s5, $0x1;
	s3 =	sadd.s32 s20, s19  }
0x9c: {  	s22 =	simm.s32 $0x0;
	s4 =	sshll.u32 s4, $0x1;
	s5 =	sadd.s32 s21, s3  }
0x9d: {  	[timem:s22], [sflag:s6] =	dma.local [hbm:s5], s4  }
0x9e: {  	_ =	swait.ge [sflag:s6], s4  }
0x9f: {  	s4 =	ssub.s32 $0x0, s4;
	[sflag:s6] =	ssyncset.done $0x0  }
0xa0: {  	[sflag:s6] =	ssyncadd.s32 s4;
	_ =	sdelay $0x1  }
0xa1: {  	s23 =	simm.s32 $0x1B8B  }
0xa2: {  	_ =	swait.ge [sflag:s23], $0x1  }
0xa3: {  	[sflag:s23] =	ssyncset.done $0x0  }
0xa4: {  	[sflag:s23] =	ssyncadd.s32 $0xFFFFFFFF  }
0xa5: {  	s4 =	sld [smem:$0x0]  }
0xa6: {  	s5 =	sand.u32 $0xFFFFFFFE, s1  }
0xa7: {  	p0 =	sne.s32 s1, s5  }
0xa8: {  	s5 =	sshll.u32 @p0 s5, $0xE  }
0xa9: {  	s5 =	sadd.s32 @p0 $0x11B8D, s5;
	s6 =	sshll.u32 @p0 s4, $0x11  }
0xaa: {  	s5 =	sor.u32 @p0 s6, s5  }
0xab: {  	[sflag:s5] =	ssyncadd.remote.s32 @p0 $0x1;
	_ =	sdelay $0x1  }
0xac: {  	s5 =	simm.s32 @p0 $0x1B8D  }
0xad: {  	_ =	swait.eq @p0 [sflag:s5], $0x1  }
0xae: {  	[sflag:s5] =	ssyncadd.s32 @p0 $0xFFFFFFFF  }
0xaf: {  	s6 =	sshll.u32 @!p0 s1, $0xE  }
0xb0: {  	s6 =	sor.u32 @!p0 $0x4000, s6;
	s5 =	simm.s32 @!p0 $0x1B8D  }
0xb1: {  	s4 =	sshll.u32 @!p0 s4, $0x11;
	s6 =	sadd.s32 @!p0 $0x11B8D, s6;
	_ =	swait.eq @!p0 [sflag:s5], $0x1  }
0xb2: {  	s4 =	sor.u32 @!p0 s4, s6;
	[sflag:s5] =	ssyncadd.s32 @!p0 $0xFFFFFFFF  }
0xb3: {  	s25 =	simm.s32 $0x1B8E;
	s24 =	sld [smem:$0x3FFE];
	[sflag:s4] =	ssyncadd.remote.s32 @!p0 $0x1  }
0xb4: {  	s26 =	simm.s32 $execute0_lowered;
	[smem:$0x3FD2] =	sst s25  }
0xb5: {  	s5 =	sshll.u32 s26, $0x1;
	_ =	strace $0x80000049;
	[dreg:$0x1] =	wrdreg $0xFFFFFFFF  }
0xb6: {  	s28 =	simm.s32 $_size_execute0_lowered;
	s3 =	sadd.s32 s3, s5;
	[dreg:$0x0] =	wrdreg $0x0  }
0xb7: {  	s5 =	sshll.u32 s28, $0x1;
	[dreg:$0x2] =	wrdreg s3  }
0xb8: {  	[dreg:$0x3] =	wrdreg s5  }
0xb9: {  	[dreg:$0x4] =	wrdreg $0xC0  }
0xba: {  	_ =	task [dreg:s22], $0x5FFFF  }
0xbb: {  	[dreg:$0x1] =	wrdreg $0xFFFFFFFF  }
0xbc: {  	[dreg:$0x0] =	wrdreg $0x60  }
0xbd: {  	[dreg:$0x2] =	wrdreg s24  }
0xbe: {  	[dreg:$0x3] =	wrdreg $0xB  }
0xbf: {  	_ =	task.clear_ibuf [dreg:s22], $0x4FFFF;
	_ =	strace $0x90000049  }
0xc0: {  	s29 =	simm.s32 $0xB;
	_ =	strace $0x8000004B  }
0xc1: {  	_ =	swait.ge [sflag:s29], $0x1  }
0xc2: {  	[sflag:s29] =	ssyncadd.s32 $0xFFFFFFFF  }
0xc3: {  	_ =	strace $0x9000004B  }
0xc4: {  	_ =	sfence  }
0xc5: {  	s30 =	sld [smem:$0x0];
	_ =	sdelay $0x2  }
0xc6: {  	s31 =	sshll.u32 s1, $0xD;
	s1 =	sshrl.u32 s1, $0x2  }
0xc7: {  	s4 =	sand.u32 $0x4000, s31;
	s1 =	sadd.s32 s1, s30  }
0xc8: {  	s0 =	sor.u32 s4, s0;
	s1 =	sshll.u32 s1, $0x11  }
0xc9: {  	s0 =	sor.u32 s1, s0  }
0xca: {  	s0 =	sadd.s32 $0x8F2B, s0  }
0xcb: {  	[sflag:s0] =	ssyncadd.remote.s32 $0x1  }
0xcc: {  	_ =	sfence.sel $0xFFFF  }
0xcd: {  	[dreg:$0x0] =	wrdreg $0xFFFFFFFF;
	(pc) =	sbr.abs _section_cstart, $3  }
0xce: {  	[dreg:$0x1] =	wrdreg $0xFFFFFFFF  }
0xcf: {  	_ =	task.clear_ibuf [dreg:s22], $0x2FFFF;
	_ =	strace $0x9FFFFFFF  }
0xd0: {  	(tm) =	ssettm $0x7FFFFFFF  }
0xd1: {  	_ =	shalt  }
tec
execute0_lowered:
.L_overlay_start_1:
0x0: {  	(tag) =	ssettag $0x1  }
0x1: {  	s1 =	srdreg.scid  }
0x2: {  	s0 =	stileid.u32;
	s4 =	rddreg [dreg:$0x0]  }
0x3: {  	s2 =	simm.s32 $0x0;
	s11 =	simm.s32 $0x4480;
	s12 =	simm.s32 $0x6480  }
0x4: {  	s13 =	simm.s32 $0x1;
	s14 =	simm.s32 $0x2400;
	s15 =	simm.s32 $0x0  }
0x5: {  	s5 =	sand.u32 $0x1, s1;
	s3 =	sshll.u32 s0, $0x1;
	s1 =	rddreg [dreg:$0x1]  }
0x6: {  	[smem:$0x7FF] =	sst s2;
	s10 =	smul.u32 $0x24800, s0;
	s6 =	sor.u32 s5, s3  }
0x7: {  	s9 =	sadd.s32 $0x495000, s4;
	_ =	strace $0x8000004A;
	s7 =	smul.u32 $0x2480, s6  }
0x8: {  	s3 =	sadd.s32 $0x189A00, s4;
	s8 =	ssub.s32 $0x2, s5;
	s6 =	smul.u32 $0x92000, s6  }
0x9: {  	s30 =	smul.u32 $0x12400, s5;
	s29 =	sshrl.u32 s8, $0x1;
	s31 =	sadd.s32 s10, s9  }
0xa: {  	s10 =	simm.s32 $0x2480;
	s7 =	sshrl.u32 s7, $0x3;
	s6 =	sshrl.u32 s6, $0x3  }
0xb: {  	s8 =	ssub.s32 s8, s29;
	s7 =	sadd.s32 s7, s4;
	s6 =	sadd.s32 s9, s6  }
0xc: {  	s9 =	simm.s32 $0x80;
	s4 =	sadd.s32 $0xC200, s7;
	s5 =	sadd.s32 $0x12000, s6  }
0xd: {  	s6 =	smax.u32 s8, $0x1;
	s7 =	sadd.s32 s30, s31;
	s8 =	simm.s32 $0x2  }
.LBB2_1:
0xe: {  	[tilespmem:s2], [sflag:$0x2] =	stream.linear.gather [hbm4b:s4+s2], $0x2480, $0x38;
	[tilespmem:$0x8480] =	vst v63  }
0xf: {  	_ =	swait.ge [sflag:s8], $0x2480  }
0x10: {  	[sflag:s8] =	ssyncset.done $0x0  }
0x11: {  	s16 =	simm.s32 $0x0;
	[sflag:s8] =	ssyncadd.s32 $0xFFFFDB80  }
0x12: {  	[tilespmem:s10], [sflag:$0x1] =	stream.indirect.gather [hbm4b:s3+s9], $0x40, s16, s9, $0xb8;
	[tilespmem:$0x8480] =	vst v63  }
0x13: {  	s29 =	simm.s32 $0x80  }
0x14: {  	[tilespmem:s11], [sflag:$0x1] =	stream.indirect.gather [hbm4b:s3+s9], $0x40, s29, s9, $0xb8;
	[tilespmem:$0x8480] =	vst v63  }
0x15: {  	s30 =	simm.s32 $0x100  }
0x16: {  	[tilespmem:s12], [sflag:$0x1] =	stream.indirect.gather [hbm4b:s3+s9], $0x40, s30, s9, $0xb8;
	[tilespmem:$0x8480] =	vst v63  }
0x17: {  	_ =	swait.ge [sflag:s13], $0x2000  }
0x18: {  	[sflag:s13] =	ssyncset.done $0x0  }
0x19: {  	[sflag:s13] =	ssyncadd.s32 $0xFFFFE000  }
0x1a: {  	_ =	swait.ge [sflag:s13], $0x2000  }
0x1b: {  	[sflag:s13] =	ssyncset.done $0x0  }
0x1c: {  	[sflag:s13] =	ssyncadd.s32 $0xFFFFE000  }
0x1d: {  	_ =	swait.ge [sflag:s13], $0x2000  }
0x1e: {  	[sflag:s13] =	ssyncset.done $0x0  }
0x1f: {  	s31 =	sadd.s32 $0x0, s7;
	[sflag:s13] =	ssyncadd.s32 $0xFFFFE000  }
0x20: {  	[hbm4b:s31+s2] =	stream.linear.scatter [tilespmem:s10], [sflag:$0x2], $0x6000, $0x38;
	[tilespmem:$0x8480] =	vst v63  }
0x21: {  	s18 =	simm.s32 $0x1800;
	_ =	swait.ge [sflag:s8], $0x6000  }
0x22: {  	s17 =	simm.s32 $0x280;
	s16 =	simm.s32 $0xC00;
	[sflag:s8] =	ssyncset.done $0x0  }
.LBB2_2:
0x23: {  	p0 =	sne.s32 s18, $0x11400;
	s19 =	sadd.s32 $0xFFFFFF00, s17;
	[sflag:s8] =	ssyncadd.s32 $0xFFFFA000  }
0x24: {  	[tilespmem:s10], [sflag:$0x1] =	stream.indirect.gather [hbm4b:s3+s9], $0x40, s19, s9, $0xb8;
	[tilespmem:$0x8480] =	vst v63  }
0x25: {  	s20 =	smov.u32 s18;
	s18 =	sadd.s32 $0xC00, s18;
	s19 =	sadd.s32 $0xFFFFFF80, s17  }
0x26: {  	[tilespmem:s11], [sflag:$0x1] =	stream.indirect.gather [hbm4b:s3+s9], $0x40, s19, s9, $0xb8;
	[tilespmem:$0x8480] =	vst v63  }
0x27: {  	_ = 	snop  }
0x28: {  	[tilespmem:s12], [sflag:$0x1] =	stream.indirect.gather [hbm4b:s3+s9], $0x40, s17, s9, $0xb8;
	[tilespmem:$0x8480] =	vst v63  }
0x29: {  	_ =	swait.ge [sflag:s13], $0x2000  }
0x2a: {  	[sflag:s13] =	ssyncset.done $0x0  }
0x2b: {  	[sflag:s13] =	ssyncadd.s32 $0xFFFFE000  }
0x2c: {  	_ =	swait.ge [sflag:s13], $0x2000  }
0x2d: {  	[sflag:s13] =	ssyncset.done $0x0  }
0x2e: {  	[sflag:s13] =	ssyncadd.s32 $0xFFFFE000  }
0x2f: {  	_ =	swait.ge [sflag:s13], $0x2000  }
.Ltmp0:
0x30: {  	[sflag:s13] =	ssyncset.done $0x0;
	(pc) =	sbr.rel @p0 .LBB2_2-.Ltmp0, $4  }
0x31: {  	s19 =	sadd.s32 s16, s7;
	s16 =	smov.u32 s20;
	[sflag:s13] =	ssyncadd.s32 $0xFFFFE000  }
0x32: {  	[hbm4b:s19+s2] =	stream.linear.scatter [tilespmem:s10], [sflag:$0x2], $0x6000, $0x38;
	[tilespmem:$0x8480] =	vst v63  }
0x33: {  	_ =	swait.ge [sflag:s8], $0x6000  }
0x34: {  	s17 =	sadd.s32 $0x180, s17;
	[sflag:s8] =	ssyncset.done $0x0  }
0x35: {  	s18 =	sadd.s32 $0xFFFFFF00, s17;
	[sflag:s8] =	ssyncadd.s32 $0xFFFFA000  }
0x36: {  	[tilespmem:s10], [sflag:$0x1] =	stream.indirect.gather [hbm4b:s3+s9], $0x40, s18, s9, $0xb8;
	[tilespmem:$0x8480] =	vst v63  }
0x37: {  	s31 =	sadd.s32 $0xFFFFFF80, s17  }
0x38: {  	[tilespmem:s11], [sflag:$0x1] =	stream.indirect.gather [hbm4b:s3+s9], $0x40, s31, s9, $0xb8;
	[tilespmem:$0x8480] =	vst v63  }
0x39: {  	_ = 	snop  }
0x3a: {  	[tilespmem:s12], [sflag:$0x1] =	stream.indirect.gather [hbm4b:s3+s9], $0x40, s17, s9, $0xb8;
	[tilespmem:$0x8480] =	vst v63  }
0x3b: {  	_ =	swait.ge [sflag:s13], $0x2000  }
0x3c: {  	[sflag:s13] =	ssyncset.done $0x0  }
0x3d: {  	[sflag:s13] =	ssyncadd.s32 $0xFFFFE000  }
0x3e: {  	_ =	swait.ge [sflag:s13], $0x2000  }
0x3f: {  	[sflag:s13] =	ssyncset.done $0x0  }
0x40: {  	[sflag:s13] =	ssyncadd.s32 $0xFFFFE000  }
0x41: {  	_ =	swait.ge [sflag:s13], $0x2000  }
0x42: {  	[sflag:s13] =	ssyncset.done $0x0  }
0x43: {  	s16 =	sadd.s32 s16, s7;
	[sflag:s13] =	ssyncadd.s32 $0xFFFFE000  }
0x44: {  	[hbm4b:s16+s2] =	stream.linear.scatter [tilespmem:s10], [sflag:$0x2], $0x6000, $0x38;
	[tilespmem:$0x8480] =	vst v63  }
0x45: {  	_ =	swait.ge [sflag:s8], $0x6000  }
0x46: {  	[sflag:s8] =	ssyncset.done $0x0  }
0x47: {  	[sflag:s8] =	ssyncadd.s32 $0xFFFFA000  }
0x48: {  	[tilespmem:s10], [sflag:$0x1] =	stream.indirect.gather [hbm4b:s3+s9], $0x40, s14, s9, $0xb8;
	[tilespmem:$0x8480] =	vst v63  }
0x49: {  	s15 =	sadd.s32 $0x1, s15;
	_ =	swait.ge [sflag:s13], $0x2000  }
0x4a: {  	p0 =	sne.s32 s15, s6;
	[sflag:s13] =	ssyncset.done $0x0  }
.Ltmp1:
0x4b: {  	[sflag:s13] =	ssyncadd.s32 $0xFFFFE000;
	(pc) =	sbr.rel @p0 .LBB2_1-.Ltmp1, $4  }
0x4c: {  	[hbm4b:s5+s2] =	stream.linear.scatter [tilespmem:s10], [sflag:$0x2], $0x2000, $0x38;
	[tilespmem:$0x8480] =	vst v63  }
0x4d: {  	_ =	swait.ge [sflag:s8], $0x2000  }
0x4e: {  	[sflag:s8] =	ssyncset.done $0x0  }
0x4f: {  	[sflag:s8] =	ssyncadd.s32 $0xFFFFE000  }
0x50: {  	_ =	sfence.sel $0x180000  }
0x51: {  	[bflag:$0x0] =	sbarrier.arrive $0xFFFF  }
0x52: {  	p0 =	sne.s32 s0, $0x0;
	_ =	strace $0x9000004A  }
0x53: {  	s0 =	sadd.s32 @!p0 $0x100000, s1;
	[bflag:$0x2] =	sbarrier.arrive $0xFFFF  }
0x54: {  	[sflag:s0] =	ssyncadd.tile.s32 @!p0 $0x1;
	_ =	shalt  }
.Lfunc_end2:
_tile_overlayer_lowered:
.L_overlay_start_2:
0x55: {  	(tag) =	ssettag $0x2  }
0x56: {  	s0 =	rddreg [dreg:$0x0];
	s2 =	stileid.u32  }
0x57: {  	s1 =	rddreg [dreg:$0x1];
	p0 =	sne.s32 s2, $0x0  }
0x58: {  	s3 =	rddreg [dreg:$0x2];
	[bflag:$0x3] =	sbarrier.arrive $0xFFFF;
	s2 =	simm.s32 @!p0 $0x1C02  }
0x59: {  	[timem:s3], [sflag:s2] =	dma.local @!p0 [hbm:s0], s1  }
0x5a: {  	s0 =	simm.s32 @!p0 $0x2  }
0x5b: {  	_ =	swait.ge @!p0 [sflag:s0], s1  }
0x5c: {  	s1 =	ssub.s32 @!p0 $0x0, s1;
	[sflag:s0] =	ssyncset.done @!p0 $0x0  }
0x5d: {  	[sflag:s0] =	ssyncadd.s32 @!p0 s1  }
0x5e: {  	[bflag:$0x3] =	sbarrier.arrive $0xFFFF  }
0x5f: {  	_ =	shalt  }

// kernel: kernel.9.cloned.1.call-start
scs
__scs_entry_jumppad:
0x0: {  	(pc) =	sbr.rel $0x88, $3  }
0x1: {  	(tag) =	ssettag $0x0;
	lr =	simm.s32 $0x1  }
0x2: {  	[smem:$0x3F93] =	sst lr;
	_ =	strace $0xD0000000  }
0x3: {  	_ = 	snop  }
0x4: {  	_ = 	snop  }
0x5: {  	_ = 	snop  }
0x6: {  	_ = 	snop  }
0x7: {  	_ = 	snop  }
__scs_overlays_trampoline_lowered:
0x8: {  	[smem:$0x3FA2] =	sst s0  }
0x9: {  	[smem:$0x3FA3] =	sst s1  }
0xa: {  	[smem:$0x3FA4] =	sst s2  }
0xb: {  	[smem:$0x3FA5] =	sst s3  }
0xc: {  	[smem:$0x3FA6] =	sst s4  }
0xd: {  	[smem:$0x3FA7] =	sst s5  }
0xe: {  	[smem:$0x3FA8] =	sst s6  }
0xf: {  	[smem:$0x3FA9] =	sst s7  }
0x10: {  	[smem:$0x3FAA] =	sst s8  }
0x11: {  	[smem:$0x3FAB] =	sst s9;
	s0 =	simm.s32 @!p0 $0x0  }
0x12: {  	s1 =	sld [smem:$0x3F91];
	s0 =	simm.s32 @p0 $0x1  }
0x13: {  	[smem:$0x3FAC] =	sst s0;
	s0 =	simm.s32 @!p1 $0x0  }
0x14: {  	s2 =	sld [smem:$0x3F90];
	s0 =	simm.s32 @p1 $0x1  }
0x15: {  	[smem:$0x3FAD] =	sst s0;
	s0 =	simm.s32 @!p2 $0x0  }
0x16: {  	s3 =	sld [smem:$0x3FDB];
	s0 =	simm.s32 @p2 $0x1  }
0x17: {  	s4 =	simm.s32 $0x1BF5;
	[smem:$0x3FAF] =	sst s0  }
0x18: {  	s0 =	sld [smem:$0x3F92];
	_ =	swait.ge [sflag:s4], $0x0  }
0x19: {  	s7 =	sld [smem:$0x3F93]  }
0x1a: {  	s8 =	sadd.s32 $0xFFFFE003, lr  }
0x1b: {  	s9 =	sadd.s32 $0xFFFFFEF7, lr;
	s5 =	simm.s32 $0xFFFFFFFF;
	p2 =	slt.u32 s8, $0xFFFFF086  }
0x1c: {  	p1 =	slt.u32 s9, $0xF7A;
	s5 =	simm.s32 @!p2 $0x0  }
0x1d: {  	s5 =	simm.s32 @p1 $0x1;
	p0 =	seq.s32 s7, s2  }
0x1e: {  	s7 =	smul.u32 @!p0 $0xF7A, s2;
	p2 =	seq.s32 @!p0 s5, $0x0  }
0x1f: {  	s9 =	smul.u32 $0xF7A, s1;
	s8 =	simm.s32 @!p0 $0x1BF5;
	p2 =	por !p2, p0  }
0x20: {  	[sflag:s8] =	ssyncset.s32 @!p0 $0xFFFFF086;
	s6 =	sadd.s32 @!p0 s3, s7;
	s7 =	simm.s32 @!p0 $0x108  }
0x21: {  	s3 =	sadd.s32 s3, s9;
	s6 =	sadd.s32 @!p0 $0x88, s6;
	s7 =	simm.s32 @p2 $0x1082  }
0x22: {  	[simem:s7], [sflag:s8] =	dma.local @!p0 [hbm:s6], $0xF7A  }
0x23: {  	s9 =	sor.u32 $0xD0000000, s2;
	s6 =	simm.s32 $0x108;
	_ =	swait.ge @!p0 [sflag:s8], $0x0  }
0x24: {  	s3 =	sadd.s32 $0x88, s3;
	s6 =	simm.s32 @!p1 $0x1082;
	[sflag:s4] =	ssyncset.s32 $0xFFFFF086  }
0x25: {  	[simem:s6], [sflag:s4] =	dma.local [hbm:s3], $0xF7A  }
0x26: {  	[smem:$0x3F93] =	sst s1;
	(tag) =	ssettag s2;
	_ =	strace s9  }
0x27: {  	s1 =	sld [smem:$0x3FA3]  }
0x28: {  	s2 =	sld [smem:$0x3FA4]  }
0x29: {  	s4 =	sld [smem:$0x3FA6]  }
0x2a: {  	p0 =	seq.s32 s5, $0x0;
	s5 =	sld [smem:$0x3FA7]  }
0x2b: {  	s6 =	sld [smem:$0x3FA8]  }
0x2c: {  	s7 =	sld [smem:$0x3FA9]  }
0x2d: {  	s3 =	simm.s32 $0x108;
	s8 =	sld [smem:$0x3FAA]  }
0x2e: {  	s3 =	simm.s32 @!p0 $0x1082;
	s9 =	sld [smem:$0x3FAB]  }
0x2f: {  	lr =	sadd.s32 s0, s3;
	s0 =	sld [smem:$0x3FA2]  }
0x30: {  	s3 =	sld [smem:$0x3FA5]  }
0x31: {  	[smem:$0x3FAE] =	sst s10  }
0x32: {  	s10 =	sld [smem:$0x3FAC];
	_ =	sdelay $0x3  }
0x33: {  	p0 =	seq.s32 s10, $0x1;
	s10 =	sld [smem:$0x3FAE];
	_ =	sdelay $0x3  }
0x34: {  	[smem:$0x3FAE] =	sst s10  }
0x35: {  	s10 =	sld [smem:$0x3FAD];
	_ =	sdelay $0x3  }
0x36: {  	p1 =	seq.s32 s10, $0x1;
	s10 =	sld [smem:$0x3FAE];
	_ =	sdelay $0x3  }
0x37: {  	[smem:$0x3FAE] =	sst s10  }
0x38: {  	s10 =	sld [smem:$0x3FAF]  }
0x39: {  	_ = 	snop;
	(pc) =	sbr.ind lr, $3  }
0x3a: {  	_ = 	snop  }
0x3b: {  	_ = 	snop  }
0x3c: {  	p2 =	seq.s32 s10, $0x1;
	s10 =	sld [smem:$0x3FAE]  }
0x3d: {  	_ =	shalt  }
0x3e: {  	_ =	shalt  }
0x3f: {  	_ =	shalt  }
0x40: {  	_ =	shalt  }
0x41: {  	_ =	shalt  }
0x42: {  	_ =	shalt  }
0x43: {  	_ =	shalt  }
0x44: {  	_ =	shalt  }
0x45: {  	_ =	shalt  }
0x46: {  	_ =	shalt  }
0x47: {  	_ =	shalt  }
0x48: {  	_ =	shalt  }
0x49: {  	_ =	shalt  }
0x4a: {  	_ =	shalt  }
0x4b: {  	_ =	shalt  }
0x4c: {  	_ =	shalt  }
0x4d: {  	_ =	shalt  }
0x4e: {  	_ =	shalt  }
0x4f: {  	_ =	shalt  }
0x50: {  	_ =	shalt  }
0x51: {  	_ =	shalt  }
0x52: {  	_ =	shalt  }
0x53: {  	_ =	shalt  }
0x54: {  	_ =	shalt  }
0x55: {  	_ =	shalt  }
0x56: {  	_ =	shalt  }
0x57: {  	_ =	shalt  }
0x58: {  	_ =	shalt  }
0x59: {  	_ =	shalt  }
0x5a: {  	_ =	shalt  }
0x5b: {  	_ =	shalt  }
0x5c: {  	_ =	shalt  }
0x5d: {  	_ =	shalt  }
0x5e: {  	_ =	shalt  }
0x5f: {  	_ =	shalt  }
0x60: {  	_ =	shalt  }
0x61: {  	_ =	shalt  }
0x62: {  	_ =	shalt  }
0x63: {  	_ =	shalt  }
0x64: {  	_ =	shalt  }
0x65: {  	_ =	shalt  }
0x66: {  	_ =	shalt  }
0x67: {  	_ =	shalt  }
0x68: {  	_ =	shalt  }
0x69: {  	_ =	shalt  }
0x6a: {  	_ =	shalt  }
0x6b: {  	_ =	shalt  }
0x6c: {  	_ =	shalt  }
0x6d: {  	_ =	shalt  }
0x6e: {  	_ =	shalt  }
0x6f: {  	_ =	shalt  }
0x70: {  	_ =	shalt  }
0x71: {  	_ =	shalt  }
0x72: {  	_ =	shalt  }
0x73: {  	_ =	shalt  }
0x74: {  	_ =	shalt  }
0x75: {  	_ =	shalt  }
0x76: {  	_ =	shalt  }
0x77: {  	_ =	shalt  }
0x78: {  	_ =	shalt  }
0x79: {  	_ =	shalt  }
0x7a: {  	_ =	shalt  }
0x7b: {  	_ =	shalt  }
0x7c: {  	_ =	shalt  }
0x7d: {  	_ =	shalt  }
0x7e: {  	_ =	shalt  }
0x7f: {  	_ =	shalt  }
0x80: {  	_ =	shalt  }
0x81: {  	_ =	shalt  }
0x82: {  	_ =	shalt  }
0x83: {  	_ =	shalt  }
0x84: {  	_ =	shalt  }
0x85: {  	_ =	shalt  }
0x86: {  	_ =	shalt  }
0x87: {  	_ =	shalt  }
.Lfunc_end0:
.L_simem_size_0:
called_computation_lowered:
.L_overlay_start_0:
0x88: {  	s2 =	sld [smem:$0x3FD9]  }
0x89: {  	s3 =	sld [smem:$0x3FFE];
	_ =	sdelay $0x1  }
0x8a: {  	s1 =	srdreg.scid  }
0x8b: {  	s0 =	sand.u32 $0x1, s1  }
0x8c: {  	s17 =	sshll.u32 s0, $0xA;
	s2 =	sadd.s32 s3, s2  }
0x8d: {  	s2 =	sadd.s32 s2, s17  }
0x8e: {  	[smem:$0x3FBA] =	sst s2  }
0x8f: {  	_ = 	snop  }
0x90: {  	(tm) =	ssettm $0x1  }
0x91: {  	s18 =	sld [smem:$0x3FFB];
	_ =	sdelay $0x3  }
0x92: {  	_ =	strace s18  }
0x93: {  	s2 =	sld [smem:$0x3FFC];
	_ =	sdelay $0x3  }
0x94: {  	_ =	strace s2  }
0x95: {  	s2 =	sld [smem:$0x3FFD];
	_ =	sdelay $0x3  }
0x96: {  	_ =	strace s2  }
0x97: {  	_ =	strace $0x8FFFFFFF  }
0x98: {  	s19 =	sld [smem:$0x3FDB];
	_ =	sdelay $0x1  }
0x99: {  	s20 =	simm.s32 $_scs_section_size  }
0x9a: {  	s4 =	simm.s32 $_size__tile_overlayer_lowered;
	s5 =	simm.s32 $_tile_overlayer_lowered  }
0x9b: {  	s6 =	simm.s32 $0x1BFF;
	s21 =	sshll.u32 s5, $0x1;
	s3 =	sadd.s32 s20, s19  }
0x9c: {  	s22 =	simm.s32 $0x0;
	s4 =	sshll.u32 s4, $0x1;
	s5 =	sadd.s32 s21, s3  }
0x9d: {  	[timem:s22], [sflag:s6] =	dma.local [hbm:s5], s4  }
0x9e: {  	_ =	swait.ge [sflag:s6], s4  }
0x9f: {  	s4 =	ssub.s32 $0x0, s4;
	[sflag:s6] =	ssyncset.done $0x0  }
0xa0: {  	[sflag:s6] =	ssyncadd.s32 s4;
	_ =	sdelay $0x1  }
0xa1: {  	s23 =	simm.s32 $0x1B8B  }
0xa2: {  	_ =	swait.ge [sflag:s23], $0x1  }
0xa3: {  	[sflag:s23] =	ssyncset.done $0x0  }
0xa4: {  	[sflag:s23] =	ssyncadd.s32 $0xFFFFFFFF  }
0xa5: {  	s4 =	sld [smem:$0x0]  }
0xa6: {  	s5 =	sand.u32 $0xFFFFFFFE, s1  }
0xa7: {  	p0 =	sne.s32 s1, s5  }
0xa8: {  	s5 =	sshll.u32 @p0 s5, $0xE  }
0xa9: {  	s5 =	sadd.s32 @p0 $0x11B8D, s5;
	s6 =	sshll.u32 @p0 s4, $0x11  }
0xaa: {  	s5 =	sor.u32 @p0 s6, s5  }
0xab: {  	[sflag:s5] =	ssyncadd.remote.s32 @p0 $0x1;
	_ =	sdelay $0x1  }
0xac: {  	s5 =	simm.s32 @p0 $0x1B8D  }
0xad: {  	_ =	swait.eq @p0 [sflag:s5], $0x1  }
0xae: {  	[sflag:s5] =	ssyncadd.s32 @p0 $0xFFFFFFFF  }
0xaf: {  	s6 =	sshll.u32 @!p0 s1, $0xE  }
0xb0: {  	s6 =	sor.u32 @!p0 $0x4000, s6;
	s5 =	simm.s32 @!p0 $0x1B8D  }
0xb1: {  	s4 =	sshll.u32 @!p0 s4, $0x11;
	s6 =	sadd.s32 @!p0 $0x11B8D, s6;
	_ =	swait.eq @!p0 [sflag:s5], $0x1  }
0xb2: {  	s4 =	sor.u32 @!p0 s4, s6;
	[sflag:s5] =	ssyncadd.s32 @!p0 $0xFFFFFFFF  }
0xb3: {  	s25 =	simm.s32 $0x1B8E;
	s24 =	sld [smem:$0x3FFE];
	[sflag:s4] =	ssyncadd.remote.s32 @!p0 $0x1  }
0xb4: {  	s26 =	simm.s32 $execute0_lowered;
	[smem:$0x3FD2] =	sst s25  }
0xb5: {  	s5 =	sshll.u32 s26, $0x1;
	_ =	strace $0x8000004C;
	[dreg:$0x1] =	wrdreg $0xFFFFFFFF  }
0xb6: {  	s28 =	simm.s32 $_size_execute0_lowered;
	s3 =	sadd.s32 s3, s5;
	[dreg:$0x0] =	wrdreg $0x0  }
0xb7: {  	s5 =	sshll.u32 s28, $0x1;
	[dreg:$0x2] =	wrdreg s3  }
0xb8: {  	[dreg:$0x3] =	wrdreg s5  }
0xb9: {  	[dreg:$0x4] =	wrdreg $0xC0  }
0xba: {  	_ =	task [dreg:s22], $0x5FFFF  }
0xbb: {  	[dreg:$0x1] =	wrdreg $0xFFFFFFFF  }
0xbc: {  	[dreg:$0x0] =	wrdreg $0x60  }
0xbd: {  	[dreg:$0x2] =	wrdreg s24  }
0xbe: {  	[dreg:$0x3] =	wrdreg $0x9  }
0xbf: {  	_ =	task.clear_ibuf [dreg:s22], $0x4FFFF;
	_ =	strace $0x9000004C  }
0xc0: {  	s29 =	simm.s32 $0x9;
	_ =	strace $0x8000004E  }
0xc1: {  	_ =	swait.ge [sflag:s29], $0x1  }
0xc2: {  	[sflag:s29] =	ssyncadd.s32 $0xFFFFFFFF  }
0xc3: {  	_ =	strace $0x9000004E  }
0xc4: {  	_ =	sfence  }
0xc5: {  	s30 =	sld [smem:$0x0];
	_ =	sdelay $0x2  }
0xc6: {  	s31 =	sshll.u32 s1, $0xD;
	s1 =	sshrl.u32 s1, $0x2  }
0xc7: {  	s4 =	sand.u32 $0x4000, s31;
	s1 =	sadd.s32 s1, s30  }
0xc8: {  	s0 =	sor.u32 s4, s0;
	s1 =	sshll.u32 s1, $0x11  }
0xc9: {  	s0 =	sor.u32 s1, s0  }
0xca: {  	s0 =	sadd.s32 $0x8F2B, s0  }
0xcb: {  	[sflag:s0] =	ssyncadd.remote.s32 $0x1  }
0xcc: {  	_ =	sfence.sel $0xFFFF  }
0xcd: {  	[dreg:$0x0] =	wrdreg $0xFFFFFFFF;
	(pc) =	sbr.abs _section_cstart, $3  }
0xce: {  	[dreg:$0x1] =	wrdreg $0xFFFFFFFF  }
0xcf: {  	_ =	task.clear_ibuf [dreg:s22], $0x2FFFF;
	_ =	strace $0x9FFFFFFF  }
0xd0: {  	(tm) =	ssettm $0x7FFFFFFF  }
0xd1: {  	_ =	shalt  }
tec
execute0_lowered:
.L_overlay_start_1:
0x0: {  	(tag) =	ssettag $0x1  }
0x1: {  	s1 =	srdreg.scid  }
0x2: {  	s0 =	stileid.u32;
	s4 =	rddreg [dreg:$0x0]  }
0x3: {  	s2 =	simm.s32 $0x0;
	s11 =	simm.s32 $0x4480;
	s12 =	simm.s32 $0x6480  }
0x4: {  	s13 =	simm.s32 $0x1;
	s14 =	simm.s32 $0x2400;
	s15 =	simm.s32 $0x0  }
0x5: {  	s5 =	sand.u32 $0x1, s1;
	s3 =	sshll.u32 s0, $0x1;
	s1 =	rddreg [dreg:$0x1]  }
0x6: {  	[smem:$0x7FF] =	sst s2;
	s10 =	smul.u32 $0x24800, s0;
	s6 =	sor.u32 s5, s3  }
0x7: {  	s9 =	sadd.s32 $0x6DD000, s4;
	_ =	strace $0x8000004D;
	s7 =	smul.u32 $0x2480, s6  }
0x8: {  	s3 =	sadd.s32 $0x189A00, s4;
	s8 =	ssub.s32 $0x2, s5;
	s6 =	smul.u32 $0x92000, s6  }
0x9: {  	s30 =	smul.u32 $0x12400, s5;
	s29 =	sshrl.u32 s8, $0x1;
	s31 =	sadd.s32 s10, s9  }
0xa: {  	s10 =	simm.s32 $0x2480;
	s7 =	sshrl.u32 s7, $0x3;
	s6 =	sshrl.u32 s6, $0x3  }
0xb: {  	s8 =	ssub.s32 s8, s29;
	s7 =	sadd.s32 s7, s4;
	s6 =	sadd.s32 s9, s6  }
0xc: {  	s9 =	simm.s32 $0x80;
	s4 =	sadd.s32 $0x15400, s7;
	s5 =	sadd.s32 $0x12000, s6  }
0xd: {  	s6 =	smax.u32 s8, $0x1;
	s7 =	sadd.s32 s30, s31;
	s8 =	simm.s32 $0x2  }
.LBB2_1:
0xe: {  	[tilespmem:s2], [sflag:$0x2] =	stream.linear.gather [hbm4b:s4+s2], $0x2480, $0x38;
	[tilespmem:$0x8480] =	vst v63  }
0xf: {  	_ =	swait.ge [sflag:s8], $0x2480  }
0x10: {  	[sflag:s8] =	ssyncset.done $0x0  }
0x11: {  	s16 =	simm.s32 $0x0;
	[sflag:s8] =	ssyncadd.s32 $0xFFFFDB80  }
0x12: {  	[tilespmem:s10], [sflag:$0x1] =	stream.indirect.gather [hbm4b:s3+s9], $0x40, s16, s9, $0xb8;
	[tilespmem:$0x8480] =	vst v63  }
0x13: {  	s29 =	simm.s32 $0x80  }
0x14: {  	[tilespmem:s11], [sflag:$0x1] =	stream.indirect.gather [hbm4b:s3+s9], $0x40, s29, s9, $0xb8;
	[tilespmem:$0x8480] =	vst v63  }
0x15: {  	s30 =	simm.s32 $0x100  }
0x16: {  	[tilespmem:s12], [sflag:$0x1] =	stream.indirect.gather [hbm4b:s3+s9], $0x40, s30, s9, $0xb8;
	[tilespmem:$0x8480] =	vst v63  }
0x17: {  	_ =	swait.ge [sflag:s13], $0x2000  }
0x18: {  	[sflag:s13] =	ssyncset.done $0x0  }
0x19: {  	[sflag:s13] =	ssyncadd.s32 $0xFFFFE000  }
0x1a: {  	_ =	swait.ge [sflag:s13], $0x2000  }
0x1b: {  	[sflag:s13] =	ssyncset.done $0x0  }
0x1c: {  	[sflag:s13] =	ssyncadd.s32 $0xFFFFE000  }
0x1d: {  	_ =	swait.ge [sflag:s13], $0x2000  }
0x1e: {  	[sflag:s13] =	ssyncset.done $0x0  }
0x1f: {  	s31 =	sadd.s32 $0x0, s7;
	[sflag:s13] =	ssyncadd.s32 $0xFFFFE000  }
0x20: {  	[hbm4b:s31+s2] =	stream.linear.scatter [tilespmem:s10], [sflag:$0x2], $0x6000, $0x38;
	[tilespmem:$0x8480] =	vst v63  }
0x21: {  	s18 =	simm.s32 $0x1800;
	_ =	swait.ge [sflag:s8], $0x6000  }
0x22: {  	s17 =	simm.s32 $0x280;
	s16 =	simm.s32 $0xC00;
	[sflag:s8] =	ssyncset.done $0x0  }
.LBB2_2:
0x23: {  	p0 =	sne.s32 s18, $0x11400;
	s19 =	sadd.s32 $0xFFFFFF00, s17;
	[sflag:s8] =	ssyncadd.s32 $0xFFFFA000  }
0x24: {  	[tilespmem:s10], [sflag:$0x1] =	stream.indirect.gather [hbm4b:s3+s9], $0x40, s19, s9, $0xb8;
	[tilespmem:$0x8480] =	vst v63  }
0x25: {  	s20 =	smov.u32 s18;
	s18 =	sadd.s32 $0xC00, s18;
	s19 =	sadd.s32 $0xFFFFFF80, s17  }
0x26: {  	[tilespmem:s11], [sflag:$0x1] =	stream.indirect.gather [hbm4b:s3+s9], $0x40, s19, s9, $0xb8;
	[tilespmem:$0x8480] =	vst v63  }
0x27: {  	_ = 	snop  }
0x28: {  	[tilespmem:s12], [sflag:$0x1] =	stream.indirect.gather [hbm4b:s3+s9], $0x40, s17, s9, $0xb8;
	[tilespmem:$0x8480] =	vst v63  }
0x29: {  	_ =	swait.ge [sflag:s13], $0x2000  }
0x2a: {  	[sflag:s13] =	ssyncset.done $0x0  }
0x2b: {  	[sflag:s13] =	ssyncadd.s32 $0xFFFFE000  }
0x2c: {  	_ =	swait.ge [sflag:s13], $0x2000  }
0x2d: {  	[sflag:s13] =	ssyncset.done $0x0  }
0x2e: {  	[sflag:s13] =	ssyncadd.s32 $0xFFFFE000  }
0x2f: {  	_ =	swait.ge [sflag:s13], $0x2000  }
.Ltmp0:
0x30: {  	[sflag:s13] =	ssyncset.done $0x0;
	(pc) =	sbr.rel @p0 .LBB2_2-.Ltmp0, $4  }
0x31: {  	s19 =	sadd.s32 s16, s7;
	s16 =	smov.u32 s20;
	[sflag:s13] =	ssyncadd.s32 $0xFFFFE000  }
0x32: {  	[hbm4b:s19+s2] =	stream.linear.scatter [tilespmem:s10], [sflag:$0x2], $0x6000, $0x38;
	[tilespmem:$0x8480] =	vst v63  }
0x33: {  	_ =	swait.ge [sflag:s8], $0x6000  }
0x34: {  	s17 =	sadd.s32 $0x180, s17;
	[sflag:s8] =	ssyncset.done $0x0  }
0x35: {  	s18 =	sadd.s32 $0xFFFFFF00, s17;
	[sflag:s8] =	ssyncadd.s32 $0xFFFFA000  }
0x36: {  	[tilespmem:s10], [sflag:$0x1] =	stream.indirect.gather [hbm4b:s3+s9], $0x40, s18, s9, $0xb8;
	[tilespmem:$0x8480] =	vst v63  }
0x37: {  	s31 =	sadd.s32 $0xFFFFFF80, s17  }
0x38: {  	[tilespmem:s11], [sflag:$0x1] =	stream.indirect.gather [hbm4b:s3+s9], $0x40, s31, s9, $0xb8;
	[tilespmem:$0x8480] =	vst v63  }
0x39: {  	_ = 	snop  }
0x3a: {  	[tilespmem:s12], [sflag:$0x1] =	stream.indirect.gather [hbm4b:s3+s9], $0x40, s17, s9, $0xb8;
	[tilespmem:$0x8480] =	vst v63  }
0x3b: {  	_ =	swait.ge [sflag:s13], $0x2000  }
0x3c: {  	[sflag:s13] =	ssyncset.done $0x0  }
0x3d: {  	[sflag:s13] =	ssyncadd.s32 $0xFFFFE000  }
0x3e: {  	_ =	swait.ge [sflag:s13], $0x2000  }
0x3f: {  	[sflag:s13] =	ssyncset.done $0x0  }
0x40: {  	[sflag:s13] =	ssyncadd.s32 $0xFFFFE000  }
0x41: {  	_ =	swait.ge [sflag:s13], $0x2000  }
0x42: {  	[sflag:s13] =	ssyncset.done $0x0  }
0x43: {  	s16 =	sadd.s32 s16, s7;
	[sflag:s13] =	ssyncadd.s32 $0xFFFFE000  }
0x44: {  	[hbm4b:s16+s2] =	stream.linear.scatter [tilespmem:s10], [sflag:$0x2], $0x6000, $0x38;
	[tilespmem:$0x8480] =	vst v63  }
0x45: {  	_ =	swait.ge [sflag:s8], $0x6000  }
0x46: {  	[sflag:s8] =	ssyncset.done $0x0  }
0x47: {  	[sflag:s8] =	ssyncadd.s32 $0xFFFFA000  }
0x48: {  	[tilespmem:s10], [sflag:$0x1] =	stream.indirect.gather [hbm4b:s3+s9], $0x40, s14, s9, $0xb8;
	[tilespmem:$0x8480] =	vst v63  }
0x49: {  	s15 =	sadd.s32 $0x1, s15;
	_ =	swait.ge [sflag:s13], $0x2000  }
0x4a: {  	p0 =	sne.s32 s15, s6;
	[sflag:s13] =	ssyncset.done $0x0  }
.Ltmp1:
0x4b: {  	[sflag:s13] =	ssyncadd.s32 $0xFFFFE000;
	(pc) =	sbr.rel @p0 .LBB2_1-.Ltmp1, $4  }
0x4c: {  	[hbm4b:s5+s2] =	stream.linear.scatter [tilespmem:s10], [sflag:$0x2], $0x2000, $0x38;
	[tilespmem:$0x8480] =	vst v63  }
0x4d: {  	_ =	swait.ge [sflag:s8], $0x2000  }
0x4e: {  	[sflag:s8] =	ssyncset.done $0x0  }
0x4f: {  	[sflag:s8] =	ssyncadd.s32 $0xFFFFE000  }
0x50: {  	_ =	sfence.sel $0x180000  }
0x51: {  	[bflag:$0x0] =	sbarrier.arrive $0xFFFF  }
0x52: {  	p0 =	sne.s32 s0, $0x0;
	_ =	strace $0x9000004D  }
0x53: {  	s0 =	sadd.s32 @!p0 $0x100000, s1;
	[bflag:$0x2] =	sbarrier.arrive $0xFFFF  }
0x54: {  	[sflag:s0] =	ssyncadd.tile.s32 @!p0 $0x1;
	_ =	shalt  }
.Lfunc_end2:
_tile_overlayer_lowered:
.L_overlay_start_2:
0x55: {  	(tag) =	ssettag $0x2  }
0x56: {  	s0 =	rddreg [dreg:$0x0];
	s2 =	stileid.u32  }
0x57: {  	s1 =	rddreg [dreg:$0x1];
	p0 =	sne.s32 s2, $0x0  }
0x58: {  	s3 =	rddreg [dreg:$0x2];
	[bflag:$0x3] =	sbarrier.arrive $0xFFFF;
	s2 =	simm.s32 @!p0 $0x1C02  }
0x59: {  	[timem:s3], [sflag:s2] =	dma.local @!p0 [hbm:s0], s1  }
0x5a: {  	s0 =	simm.s32 @!p0 $0x2  }
0x5b: {  	_ =	swait.ge @!p0 [sflag:s0], s1  }
0x5c: {  	s1 =	ssub.s32 @!p0 $0x0, s1;
	[sflag:s0] =	ssyncset.done @!p0 $0x0  }
0x5d: {  	[sflag:s0] =	ssyncadd.s32 @!p0 s1  }
0x5e: {  	[bflag:$0x3] =	sbarrier.arrive $0xFFFF  }
0x5f: {  	_ =	shalt  }

</sc_bundles>
